<compile_context>
chip_gen: v7x
topology: tpu7x:2x2x1
jax: 0.10.2.dev20260603
libtpu: 0.0.44.dev20260713+nightly
codegen_flags: <defaults>
</compile_context>

<pallas_src>
import functools

import jax
import jax.numpy as jnp
from jax import lax
from jax.experimental import pallas as pl
from jax.experimental.pallas import tpu as pltpu
from jax.experimental.pallas import tpu_sc as plsc

L = 16

_LN2 = 0.6931471805599453


def _vlog(x):
    xi = lax.bitcast_convert_type(x, jnp.int32)
    e = ((xi >> 23) & 0xFF) - 127
    mi = (xi & 0x7FFFFF) | 0x3F800000
    m = lax.bitcast_convert_type(mi, jnp.float32)
    t = (m - 1.0) / (m + 1.0)
    t2 = t * t
    log_m = t * (2.0 + t2 * (2.0 / 3.0 + t2 * (2.0 / 5.0 + t2 * (2.0 / 7.0))))
    return e.astype(jnp.float32) * _LN2 + log_m


def _lane_shuffle(v, perm):
    return v.at[perm].get(mode="promise_in_bounds")


def _lane_max(v):
    lanes = lax.iota(jnp.int32, L)
    for sh in (8, 4, 2, 1):
        v = jnp.maximum(v, _lane_shuffle(v, lanes ^ sh))
    return v


def _lane_sum(v):
    lanes = lax.iota(jnp.int32, L)
    for sh in (8, 4, 2, 1):
        v = v + _lane_shuffle(v, lanes ^ sh)
    return v


def _make_sc_kernel(B, D, P, K):
    NC, NS = 2, 16
    NW = NC * NS
    assert B % NW == 0 and P == 4 * L and D % L == 0
    BPW = B // NW
    mesh = plsc.VectorSubcoreMesh(
        core_axis_name="c", subcore_axis_name="s",
        num_cores=NC, num_subcores=NS)

    @functools.partial(
        pl.kernel,
        out_type=jax.ShapeDtypeStruct((B,), jnp.float32),
        mesh=mesh,
        compiler_params=pltpu.CompilerParams(use_tc_tiling_on_sc=False),
        scratch_types=[
            pltpu.VMEM((BPW, D), jnp.int32),
            pltpu.VMEM((D, P // 2), jnp.int32),
            pltpu.VMEM((D, P // 2), jnp.int32),
            pltpu.VMEM((D, P // 2), jnp.int32),
            pltpu.VMEM((D, P // 2), jnp.int32),
            pltpu.VMEM((P,), jnp.float32),
            pltpu.VMEM((BPW,), jnp.float32),
            pltpu.SemaphoreType.DMA,
            pltpu.SemaphoreType.DMA,
            pltpu.SemaphoreType.DMA,
            pltpu.SemaphoreType.DMA,
        ],
    )
    def body(y_hbm, alpha_hbm, table_hbm, out_hbm,
             idx_v, rows0, rows1, rows2, rows3, alpha_v, out_v,
             sem0, sem1, sem2, sem3):
        wid = lax.axis_index("s") * NC + lax.axis_index("c")
        base = wid * BPW
        bufs = (rows0, rows1, rows2, rows3)
        sems = (sem0, sem1, sem2, sem3)

        pltpu.sync_copy(y_hbm.at[pl.ds(base, BPW)], idx_v)
        pltpu.sync_copy(alpha_hbm, alpha_v)

        offs = [(lax.iota(jnp.int32, L) + j * L) * K for j in range(D // L)]

        def add_offs(b, carry):
            for j in range(D // L):
                sl = pl.ds(j * L, L)
                idx_v[b, sl] = idx_v[b, sl] + offs[j]
            return carry

        lax.fori_loop(0, BPW, add_offs, 0)

        alpha = [alpha_v[pl.ds(s, L)] for s in (0, 2 * L, L, 3 * L)]

        def start(b, j):
            pltpu.async_copy(table_hbm.at[idx_v.at[b]], bufs[j], sems[j])

        def wait(j):
            pltpu.make_async_copy(
                table_hbm.at[pl.ds(0, D)], bufs[j], sems[j]).wait()

        for j in range(4):
            start(j, j)

        def acc_pair(bufa, bufb):
            def wide(buf, d, half):
                xi = buf[d, pl.ds(half * L, L)]
                lo = lax.bitcast_convert_type(xi << 16, jnp.float32)
                hi = lax.bitcast_convert_type(xi & jnp.int32(-65536),
                                              jnp.float32)
                return lo, hi

            def acc_step(t, carry):
                acc = list(carry)
                for u in range(4):
                    d = t * 4 + u
                    for h in range(2):
                        ea, oa = wide(bufa, d, h)
                        eb, ob = wide(bufb, d, h)
                        acc[2 * h] = acc[2 * h] + ea
                        acc[2 * h + 1] = acc[2 * h + 1] + oa
                        acc[4 + 2 * h] = acc[4 + 2 * h] + eb
                        acc[4 + 2 * h + 1] = acc[4 + 2 * h + 1] + ob
                return tuple(acc)

            z = jnp.zeros((L,), jnp.float32)
            return plsc.parallel_loop(
                0, D // 4, carry=(z,) * 8, unroll=2)(acc_step)

        def finish(b, acc, res_v):
            a = [acc[c] + alpha[c] for c in range(4)]
            m = _lane_max(jnp.maximum(jnp.maximum(a[0], a[1]),
                                      jnp.maximum(a[2], a[3])))
            s = (jnp.exp(a[0] - m) + jnp.exp(a[1] - m)
                 + jnp.exp(a[2] - m) + jnp.exp(a[3] - m))
            lse = _vlog(_lane_sum(s)) + m
            lane = b % L
            res_v = jnp.where(lax.iota(jnp.int32, L) == lane, lse, res_v)

            @pl.when(lane == L - 1)
            def _():
                out_v[pl.ds(b - (L - 1), L)] = res_v

            return res_v

        def main_step(q, res_v):
            b0 = 4 * q
            for jp in range(2):
                ja, jb = 2 * jp, 2 * jp + 1
                wait(ja)
                wait(jb)
                acc = acc_pair(bufs[ja], bufs[jb])
                for j, off in ((ja, 0), (jb, 1)):
                    b = b0 + jp * 2 + off
                    res_v = finish(b, acc[off * 4:off * 4 + 4], res_v)

                    @pl.when(b + 4 < BPW)
                    def _():
                        start(b + 4, j)
            return res_v

        lax.fori_loop(0, BPW // 4, main_step, jnp.zeros((L,), jnp.float32))
        pltpu.sync_copy(out_v, out_hbm.at[pl.ds(base, BPW)])

    return body


def kernel(y, log_alpha, log_cp_cores):
    D, P, K = log_cp_cores.shape
    B = y.shape[0]
    a16 = lax.bitcast_convert_type(
        log_cp_cores[:, :P // 2, :].astype(jnp.bfloat16), jnp.uint16)
    b16 = lax.bitcast_convert_type(
        log_cp_cores[:, P // 2:, :].astype(jnp.bfloat16), jnp.uint16)
    packed = lax.bitcast_convert_type(
        a16.astype(jnp.uint32) | (b16.astype(jnp.uint32) << 16), jnp.int32)
    table = lax.reshape(packed, (D * K, P // 2), dimensions=(0, 2, 1))
    sc = _make_sc_kernel(B, D, P, K)
    return sc(y.astype(jnp.int32), log_alpha, table)

# --- scband reference (transcript-rebuilt; emitter-appended) ---
"""Pipeline reference for scband-light-sb-d-35682588295634 (READ-ONLY COPY).

The authoritative reference and input builder live on the scoring server;
editing this copy changes nothing except your own understanding.
"""

import jax, jax.numpy as jnp
import numpy as np

DIM = 128
N_CAT = 1000
N_POT = 64
BATCH = 4096


def setup_inputs(seed: int = 0) -> dict:
    key = jax.random.key(seed)
    k1, k2 = jax.random.split(key)
    # forward input: categorical indices y in [0, n_cat)
    y = jax.random.randint(k1, (BATCH, DIM), 0, N_CAT)
    # learned parameters per __init__/_initialize_parameters (distr_init='uniform'):
    # log_alpha ~ N(-2.0, 0.1); log_cp_cores[d] = log(1/(n_cat*n_potentials))
    log_alpha = (-2.0 + 0.1 * jax.random.normal(k2, (N_POT,))).astype(jnp.float32)
    log_cp_cores = jnp.full((DIM, N_POT, N_CAT), float(np.log(1.0 / (N_CAT * N_POT))), dtype=jnp.float32)
    return {"y": y, "log_alpha": log_alpha, "log_cp_cores": log_cp_cores}


def reference(y, log_alpha, log_cp_cores):
    # Faithful translation of LightSB_D.get_log_v (the module's deterministic forward pass):
    #   log_terms = log_alpha[None, :]
    #   for d in range(dim): log_terms += log_cp_cores[d][:, y[:, d]].T
    #   log_v = logsumexp(log_terms, dim=1)
    # Vectorized over d via a batched column gather:
    # log_cp_cores: [D, P, K], y.T[:, None, :]: [D, 1, B] -> gathered g: [D, P, B]
    idx = y.T[:, None, :]
    g = jnp.take_along_axis(log_cp_cores, idx, axis=2)  # gather columns per dimension
    log_terms = log_alpha[None, :] + g.sum(axis=0).T  # [B, P]
    log_v = jax.scipy.special.logsumexp(log_terms, axis=1)  # [B]
    return log_v

if __name__ == "__main__":
    import jax
    _d = setup_inputs()
    print(jax.jit(kernel)(*tuple(_d.values())))

</pallas_src>

<mosaic_0001>
#map = affine_map<(d0, d1) -> (0, 0)>
#map1 = affine_map<(d0, d1) -> (0)>
module attributes {stable_mosaic.version = 14 : i64} {
  func.func @body(%arg0: i32, %arg1: i32, %arg2: memref<4096x128xi32, #tpu.memory_space<hbm>>, %arg3: memref<64xf32, #tpu.memory_space<hbm>>, %arg4: memref<128000x32xi32, #tpu.memory_space<hbm>>, %arg5: memref<4096xf32, #tpu.memory_space<hbm>>, %arg6: memref<128x128xi32, #tpu.memory_space<vmem>>, %arg7: memref<128x32xi32, #tpu.memory_space<vmem>>, %arg8: memref<128x32xi32, #tpu.memory_space<vmem>>, %arg9: memref<128x32xi32, #tpu.memory_space<vmem>>, %arg10: memref<128x32xi32, #tpu.memory_space<vmem>>, %arg11: memref<64xf32, #tpu.memory_space<vmem>>, %arg12: memref<128xf32, #tpu.memory_space<vmem>>, %arg13: memref<!tpu.dma_semaphore, #tpu.memory_space<semaphore_mem>>, %arg14: memref<!tpu.dma_semaphore, #tpu.memory_space<semaphore_mem>>, %arg15: memref<!tpu.dma_semaphore, #tpu.memory_space<semaphore_mem>>, %arg16: memref<!tpu.dma_semaphore, #tpu.memory_space<semaphore_mem>>) attributes {dimension_semantics = [#tpu.dimension_semantics<core_parallel>, #tpu.dimension_semantics<subcore_parallel>], iteration_bounds = array<i64: 2, 16>, scalar_prefetch = 0 : i64, scratch_operands = 11 : i64, tpu.core_type = #tpu.core_type<sc_vector_subcore>, window_params = [{transform_indices = #map}, {transform_indices = #map1}, {transform_indices = #map}, {transform_indices = #map1}]} {
    %mul3A = arith.constant 2 : i32
    %mul3A_0 = arith.muli %arg1, %mul3A : i32
    %add3A = arith.addi %mul3A_0, %arg0 : i32
    %mul3A_1 = arith.constant 128 : i32
    %mul3A_2 = arith.muli %add3A, %mul3A_1 : i32
    "tpu.region"() ({
      %run_scoped3A = tpu.sem_alloc : memref<!tpu.dma_semaphore, #tpu.memory_space<semaphore_mem>>
      %dma_start3A_108 = arith.constant 0 : i32
      %dma_start3A_109 = tpu.memref_slice %arg2[%mul3A_2, %dma_start3A_108] : memref<4096x128xi32, #tpu.memory_space<hbm>> -> memref<128x128xi32, #tpu.memory_space<hbm>>
      %dma_start3A_110 = arith.constant 0 : i32
      %dma_start3A_111 = tpu.memref_slice %arg2[%mul3A_2, %dma_start3A_110] : memref<4096x128xi32, #tpu.memory_space<hbm>> -> memref<128x128xi32, #tpu.memory_space<hbm>>
      tpu.enqueue_dma source(%dma_start3A_111 : memref<128x128xi32, #tpu.memory_space<hbm>>) target(%arg6 : memref<128x128xi32, #tpu.memory_space<vmem>>) target_semaphore(%run_scoped3A : memref<!tpu.dma_semaphore, #tpu.memory_space<semaphore_mem>>)
      %dma_wait3A = arith.constant 0 : i32
      %dma_wait3A_112 = tpu.memref_slice %arg2[%mul3A_2, %dma_wait3A] : memref<4096x128xi32, #tpu.memory_space<hbm>> -> memref<128x128xi32, #tpu.memory_space<hbm>>
      %dma_wait3A_113 = arith.constant 0 : i32
      %dma_wait3A_114 = tpu.memref_slice %arg2[%mul3A_2, %dma_wait3A_113] : memref<4096x128xi32, #tpu.memory_space<hbm>> -> memref<128x128xi32, #tpu.memory_space<hbm>>
      tpu.wait_dma2 semaphore(%run_scoped3A : memref<!tpu.dma_semaphore, #tpu.memory_space<semaphore_mem>>) src(%dma_wait3A_114 : memref<128x128xi32, #tpu.memory_space<hbm>>) dst(%arg6 : memref<128x128xi32, #tpu.memory_space<vmem>>)
      tpu.yield
    }) : () -> ()
    "tpu.region"() ({
      %run_scoped3A = tpu.sem_alloc : memref<!tpu.dma_semaphore, #tpu.memory_space<semaphore_mem>>
      tpu.enqueue_dma source(%arg3 : memref<64xf32, #tpu.memory_space<hbm>>) target(%arg11 : memref<64xf32, #tpu.memory_space<vmem>>) target_semaphore(%run_scoped3A : memref<!tpu.dma_semaphore, #tpu.memory_space<semaphore_mem>>)
      tpu.wait_dma2 semaphore(%run_scoped3A : memref<!tpu.dma_semaphore, #tpu.memory_space<semaphore_mem>>) src(%arg3 : memref<64xf32, #tpu.memory_space<hbm>>) dst(%arg11 : memref<64xf32, #tpu.memory_space<vmem>>)
      tpu.yield
    }) : () -> ()
    %iota3A = tpu.iota {dimensions = array<i32: 0>} : vector<16xi32>
    %add3A_3 = arith.constant 0 : i32
    %add3A_4 = vector.broadcast %add3A_3 : i32 to vector<16xi32>
    %add3A_5 = arith.addi %iota3A, %add3A_4 : vector<16xi32>
    %mul3A_6 = arith.constant 1000 : i32
    %mul3A_7 = vector.broadcast %mul3A_6 : i32 to vector<16xi32>
    %mul3A_8 = arith.muli %add3A_5, %mul3A_7 : vector<16xi32>
    %iota3A_9 = tpu.iota {dimensions = array<i32: 0>} : vector<16xi32>
    %add3A_10 = arith.constant 16 : i32
    %add3A_11 = vector.broadcast %add3A_10 : i32 to vector<16xi32>
    %add3A_12 = arith.addi %iota3A_9, %add3A_11 : vector<16xi32>
    %mul3A_13 = arith.constant 1000 : i32
    %mul3A_14 = vector.broadcast %mul3A_13 : i32 to vector<16xi32>
    %mul3A_15 = arith.muli %add3A_12, %mul3A_14 : vector<16xi32>
    %iota3A_16 = tpu.iota {dimensions = array<i32: 0>} : vector<16xi32>
    %add3A_17 = arith.constant 32 : i32
    %add3A_18 = vector.broadcast %add3A_17 : i32 to vector<16xi32>
    %add3A_19 = arith.addi %iota3A_16, %add3A_18 : vector<16xi32>
    %mul3A_20 = arith.constant 1000 : i32
    %mul3A_21 = vector.broadcast %mul3A_20 : i32 to vector<16xi32>
    %mul3A_22 = arith.muli %add3A_19, %mul3A_21 : vector<16xi32>
    %iota3A_23 = tpu.iota {dimensions = array<i32: 0>} : vector<16xi32>
    %add3A_24 = arith.constant 48 : i32
    %add3A_25 = vector.broadcast %add3A_24 : i32 to vector<16xi32>
    %add3A_26 = arith.addi %iota3A_23, %add3A_25 : vector<16xi32>
    %mul3A_27 = arith.constant 1000 : i32
    %mul3A_28 = vector.broadcast %mul3A_27 : i32 to vector<16xi32>
    %mul3A_29 = arith.muli %add3A_26, %mul3A_28 : vector<16xi32>
    %iota3A_30 = tpu.iota {dimensions = array<i32: 0>} : vector<16xi32>
    %add3A_31 = arith.constant 64 : i32
    %add3A_32 = vector.broadcast %add3A_31 : i32 to vector<16xi32>
    %add3A_33 = arith.addi %iota3A_30, %add3A_32 : vector<16xi32>
    %mul3A_34 = arith.constant 1000 : i32
    %mul3A_35 = vector.broadcast %mul3A_34 : i32 to vector<16xi32>
    %mul3A_36 = arith.muli %add3A_33, %mul3A_35 : vector<16xi32>
    %iota3A_37 = tpu.iota {dimensions = array<i32: 0>} : vector<16xi32>
    %add3A_38 = arith.constant 80 : i32
    %add3A_39 = vector.broadcast %add3A_38 : i32 to vector<16xi32>
    %add3A_40 = arith.addi %iota3A_37, %add3A_39 : vector<16xi32>
    %mul3A_41 = arith.constant 1000 : i32
    %mul3A_42 = vector.broadcast %mul3A_41 : i32 to vector<16xi32>
    %mul3A_43 = arith.muli %add3A_40, %mul3A_42 : vector<16xi32>
    %iota3A_44 = tpu.iota {dimensions = array<i32: 0>} : vector<16xi32>
    %add3A_45 = arith.constant 96 : i32
    %add3A_46 = vector.broadcast %add3A_45 : i32 to vector<16xi32>
    %add3A_47 = arith.addi %iota3A_44, %add3A_46 : vector<16xi32>
    %mul3A_48 = arith.constant 1000 : i32
    %mul3A_49 = vector.broadcast %mul3A_48 : i32 to vector<16xi32>
    %mul3A_50 = arith.muli %add3A_47, %mul3A_49 : vector<16xi32>
    %iota3A_51 = tpu.iota {dimensions = array<i32: 0>} : vector<16xi32>
    %add3A_52 = arith.constant 112 : i32
    %add3A_53 = vector.broadcast %add3A_52 : i32 to vector<16xi32>
    %add3A_54 = arith.addi %iota3A_51, %add3A_53 : vector<16xi32>
    %mul3A_55 = arith.constant 1000 : i32
    %mul3A_56 = vector.broadcast %mul3A_55 : i32 to vector<16xi32>
    %mul3A_57 = arith.muli %add3A_54, %mul3A_56 : vector<16xi32>
    %scan3A = arith.constant 0 : i32
    %scan3A_58 = arith.constant 0 : i32
    %scan3A_59 = arith.constant 128 : i32
    %scan3A_60 = arith.addi %scan3A_58, %scan3A_59 : i32
    %scan3A_61 = arith.constant 1 : i32
    scf.for %scan3A_108 = %scan3A_58 to %scan3A_60 step %scan3A_61  : i32 {
      %get3A_109 = arith.index_cast %scan3A_108 : i32 to index
      %get3A_110 = arith.constant 0 : index
      %get3A_111 = tpu.vector_load %arg6[%get3A_109, %get3A_110] {strides = array<i32>} : memref<128x128xi32, #tpu.memory_space<vmem>>, vector<1x16xi32>,
      %get3A_112 = vector.shape_cast %get3A_111 : vector<1x16xi32> to vector<16xi32>
      %add3A_113 = arith.addi %get3A_112, %mul3A_8 : vector<16xi32>
      %swap3A = arith.index_cast %scan3A_108 : i32 to index
      %swap3A_114 = arith.constant 0 : index
      %swap3A_115 = tpu.vector_load %arg6[%swap3A, %swap3A_114] {strides = array<i32>} : memref<128x128xi32, #tpu.memory_space<vmem>>, vector<1x16xi32>,
      %swap3A_116 = vector.shape_cast %swap3A_115 : vector<1x16xi32> to vector<16xi32>
      %swap3A_117 = vector.shape_cast %add3A_113 : vector<16xi32> to vector<1x16xi32>
      tpu.vector_store %arg6[%swap3A, %swap3A_114], %swap3A_117 {strides = array<i32>} : memref<128x128xi32, #tpu.memory_space<vmem>>, vector<1x16xi32>,
      %get3A_118 = arith.index_cast %scan3A_108 : i32 to index
      %get3A_119 = arith.constant 16 : index
      %get3A_120 = tpu.vector_load %arg6[%get3A_118, %get3A_119] {strides = array<i32>} : memref<128x128xi32, #tpu.memory_space<vmem>>, vector<1x16xi32>,
      %get3A_121 = vector.shape_cast %get3A_120 : vector<1x16xi32> to vector<16xi32>
      %add3A_122 = arith.addi %get3A_121, %mul3A_15 : vector<16xi32>
      %swap3A_123 = arith.index_cast %scan3A_108 : i32 to index
      %swap3A_124 = arith.constant 16 : index
      %swap3A_125 = tpu.vector_load %arg6[%swap3A_123, %swap3A_124] {strides = array<i32>} : memref<128x128xi32, #tpu.memory_space<vmem>>, vector<1x16xi32>,
      %swap3A_126 = vector.shape_cast %swap3A_125 : vector<1x16xi32> to vector<16xi32>
      %swap3A_127 = vector.shape_cast %add3A_122 : vector<16xi32> to vector<1x16xi32>
      tpu.vector_store %arg6[%swap3A_123, %swap3A_124], %swap3A_127 {strides = array<i32>} : memref<128x128xi32, #tpu.memory_space<vmem>>, vector<1x16xi32>,
      %get3A_128 = arith.index_cast %scan3A_108 : i32 to index
      %get3A_129 = arith.constant 32 : index
      %get3A_130 = tpu.vector_load %arg6[%get3A_128, %get3A_129] {strides = array<i32>} : memref<128x128xi32, #tpu.memory_space<vmem>>, vector<1x16xi32>,
      %get3A_131 = vector.shape_cast %get3A_130 : vector<1x16xi32> to vector<16xi32>
      %add3A_132 = arith.addi %get3A_131, %mul3A_22 : vector<16xi32>
      %swap3A_133 = arith.index_cast %scan3A_108 : i32 to index
      %swap3A_134 = arith.constant 32 : index
      %swap3A_135 = tpu.vector_load %arg6[%swap3A_133, %swap3A_134] {strides = array<i32>} : memref<128x128xi32, #tpu.memory_space<vmem>>, vector<1x16xi32>,
      %swap3A_136 = vector.shape_cast %swap3A_135 : vector<1x16xi32> to vector<16xi32>
      %swap3A_137 = vector.shape_cast %add3A_132 : vector<16xi32> to vector<1x16xi32>
      tpu.vector_store %arg6[%swap3A_133, %swap3A_134], %swap3A_137 {strides = array<i32>} : memref<128x128xi32, #tpu.memory_space<vmem>>, vector<1x16xi32>,
      %get3A_138 = arith.index_cast %scan3A_108 : i32 to index
      %get3A_139 = arith.constant 48 : index
      %get3A_140 = tpu.vector_load %arg6[%get3A_138, %get3A_139] {strides = array<i32>} : memref<128x128xi32, #tpu.memory_space<vmem>>, vector<1x16xi32>,
      %get3A_141 = vector.shape_cast %get3A_140 : vector<1x16xi32> to vector<16xi32>
      %add3A_142 = arith.addi %get3A_141, %mul3A_29 : vector<16xi32>
      %swap3A_143 = arith.index_cast %scan3A_108 : i32 to index
      %swap3A_144 = arith.constant 48 : index
      %swap3A_145 = tpu.vector_load %arg6[%swap3A_143, %swap3A_144] {strides = array<i32>} : memref<128x128xi32, #tpu.memory_space<vmem>>, vector<1x16xi32>,
      %swap3A_146 = vector.shape_cast %swap3A_145 : vector<1x16xi32> to vector<16xi32>
      %swap3A_147 = vector.shape_cast %add3A_142 : vector<16xi32> to vector<1x16xi32>
      tpu.vector_store %arg6[%swap3A_143, %swap3A_144], %swap3A_147 {strides = array<i32>} : memref<128x128xi32, #tpu.memory_space<vmem>>, vector<1x16xi32>,
      %get3A_148 = arith.index_cast %scan3A_108 : i32 to index
      %get3A_149 = arith.constant 64 : index
      %get3A_150 = tpu.vector_load %arg6[%get3A_148, %get3A_149] {strides = array<i32>} : memref<128x128xi32, #tpu.memory_space<vmem>>, vector<1x16xi32>,
      %get3A_151 = vector.shape_cast %get3A_150 : vector<1x16xi32> to vector<16xi32>
      %add3A_152 = arith.addi %get3A_151, %mul3A_36 : vector<16xi32>
      %swap3A_153 = arith.index_cast %scan3A_108 : i32 to index
      %swap3A_154 = arith.constant 64 : index
      %swap3A_155 = tpu.vector_load %arg6[%swap3A_153, %swap3A_154] {strides = array<i32>} : memref<128x128xi32, #tpu.memory_space<vmem>>, vector<1x16xi32>,
      %swap3A_156 = vector.shape_cast %swap3A_155 : vector<1x16xi32> to vector<16xi32>
      %swap3A_157 = vector.shape_cast %add3A_152 : vector<16xi32> to vector<1x16xi32>
      tpu.vector_store %arg6[%swap3A_153, %swap3A_154], %swap3A_157 {strides = array<i32>} : memref<128x128xi32, #tpu.memory_space<vmem>>, vector<1x16xi32>,
      %get3A_158 = arith.index_cast %scan3A_108 : i32 to index
      %get3A_159 = arith.constant 80 : index
      %get3A_160 = tpu.vector_load %arg6[%get3A_158, %get3A_159] {strides = array<i32>} : memref<128x128xi32, #tpu.memory_space<vmem>>, vector<1x16xi32>,
      %get3A_161 = vector.shape_cast %get3A_160 : vector<1x16xi32> to vector<16xi32>
      %add3A_162 = arith.addi %get3A_161, %mul3A_43 : vector<16xi32>
      %swap3A_163 = arith.index_cast %scan3A_108 : i32 to index
      %swap3A_164 = arith.constant 80 : index
      %swap3A_165 = tpu.vector_load %arg6[%swap3A_163, %swap3A_164] {strides = array<i32>} : memref<128x128xi32, #tpu.memory_space<vmem>>, vector<1x16xi32>,
      %swap3A_166 = vector.shape_cast %swap3A_165 : vector<1x16xi32> to vector<16xi32>
      %swap3A_167 = vector.shape_cast %add3A_162 : vector<16xi32> to vector<1x16xi32>
      tpu.vector_store %arg6[%swap3A_163, %swap3A_164], %swap3A_167 {strides = array<i32>} : memref<128x128xi32, #tpu.memory_space<vmem>>, vector<1x16xi32>,
      %get3A_168 = arith.index_cast %scan3A_108 : i32 to index
      %get3A_169 = arith.constant 96 : index
      %get3A_170 = tpu.vector_load %arg6[%get3A_168, %get3A_169] {strides = array<i32>} : memref<128x128xi32, #tpu.memory_space<vmem>>, vector<1x16xi32>,
      %get3A_171 = vector.shape_cast %get3A_170 : vector<1x16xi32> to vector<16xi32>
      %add3A_172 = arith.addi %get3A_171, %mul3A_50 : vector<16xi32>
      %swap3A_173 = arith.index_cast %scan3A_108 : i32 to index
      %swap3A_174 = arith.constant 96 : index
      %swap3A_175 = tpu.vector_load %arg6[%swap3A_173, %swap3A_174] {strides = array<i32>} : memref<128x128xi32, #tpu.memory_space<vmem>>, vector<1x16xi32>,
      %swap3A_176 = vector.shape_cast %swap3A_175 : vector<1x16xi32> to vector<16xi32>
      %swap3A_177 = vector.shape_cast %add3A_172 : vector<16xi32> to vector<1x16xi32>
      tpu.vector_store %arg6[%swap3A_173, %swap3A_174], %swap3A_177 {strides = array<i32>} : memref<128x128xi32, #tpu.memory_space<vmem>>, vector<1x16xi32>,
      %get3A_178 = arith.index_cast %scan3A_108 : i32 to index
      %get3A_179 = arith.constant 112 : index
      %get3A_180 = tpu.vector_load %arg6[%get3A_178, %get3A_179] {strides = array<i32>} : memref<128x128xi32, #tpu.memory_space<vmem>>, vector<1x16xi32>,
      %get3A_181 = vector.shape_cast %get3A_180 : vector<1x16xi32> to vector<16xi32>
      %add3A_182 = arith.addi %get3A_181, %mul3A_57 : vector<16xi32>
      %swap3A_183 = arith.index_cast %scan3A_108 : i32 to index
      %swap3A_184 = arith.constant 112 : index
      %swap3A_185 = tpu.vector_load %arg6[%swap3A_183, %swap3A_184] {strides = array<i32>} : memref<128x128xi32, #tpu.memory_space<vmem>>, vector<1x16xi32>,
      %swap3A_186 = vector.shape_cast %swap3A_185 : vector<1x16xi32> to vector<16xi32>
      %swap3A_187 = vector.shape_cast %add3A_182 : vector<16xi32> to vector<1x16xi32>
      tpu.vector_store %arg6[%swap3A_183, %swap3A_184], %swap3A_187 {strides = array<i32>} : memref<128x128xi32, #tpu.memory_space<vmem>>, vector<1x16xi32>,
    }
    %scan3A_62 = arith.constant 128 : i32
    %get3A = arith.constant 0 : index
    %get3A_63 = tpu.vector_load %arg11[%get3A] {strides = array<i32>} : memref<64xf32, #tpu.memory_space<vmem>>, vector<16xf32>,
    %get3A_64 = vector.shape_cast %get3A_63 : vector<16xf32> to vector<16xf32>
    %get3A_65 = arith.constant 32 : index
    %get3A_66 = tpu.vector_load %arg11[%get3A_65] {strides = array<i32>} : memref<64xf32, #tpu.memory_space<vmem>>, vector<16xf32>,
    %get3A_67 = vector.shape_cast %get3A_66 : vector<16xf32> to vector<16xf32>
    %get3A_68 = arith.constant 16 : index
    %get3A_69 = tpu.vector_load %arg11[%get3A_68] {strides = array<i32>} : memref<64xf32, #tpu.memory_space<vmem>>, vector<16xf32>,
    %get3A_70 = vector.shape_cast %get3A_69 : vector<16xf32> to vector<16xf32>
    %get3A_71 = arith.constant 48 : index
    %get3A_72 = tpu.vector_load %arg11[%get3A_71] {strides = array<i32>} : memref<64xf32, #tpu.memory_space<vmem>>, vector<16xf32>,
    %get3A_73 = vector.shape_cast %get3A_72 : vector<16xf32> to vector<16xf32>
    %dma_start3A = arith.constant 0 : i32
    %dma_start3A_74 = arith.constant 0 : i32
    %dma_start3A_75 = tpu.memref_slice %arg6[%dma_start3A, %dma_start3A_74] : memref<128x128xi32, #tpu.memory_space<vmem>> -> memref<1x128xi32, #tpu.memory_space<vmem>>
    %dma_start3A_76 = tpu.memref_squeeze %dma_start3A_75 : memref<1x128xi32, #tpu.memory_space<vmem>> -> memref<128xi32, #tpu.memory_space<vmem>>
    %dma_start3A_77 = arith.constant 0 : i32
    %dma_start3A_78 = arith.constant 0 : i32
    %dma_start3A_79 = tpu.memref_slice %arg4[%dma_start3A_77, %dma_start3A_78] : memref<128000x32xi32, #tpu.memory_space<hbm>> -> memref<128000x32xi32, #tpu.memory_space<hbm>>
    tpu.enqueue_indirect_dma source(%dma_start3A_79 : memref<128000x32xi32, #tpu.memory_space<hbm>>) target(%arg7 : memref<128x32xi32, #tpu.memory_space<vmem>>) offsets(%dma_start3A_76 : memref<128xi32, #tpu.memory_space<vmem>>) semaphore(%arg13 : memref<!tpu.dma_semaphore, #tpu.memory_space<semaphore_mem>>)
    %dma_start3A_80 = arith.constant 1 : i32
    %dma_start3A_81 = arith.constant 0 : i32
    %dma_start3A_82 = tpu.memref_slice %arg6[%dma_start3A_80, %dma_start3A_81] : memref<128x128xi32, #tpu.memory_space<vmem>> -> memref<1x128xi32, #tpu.memory_space<vmem>>
    %dma_start3A_83 = tpu.memref_squeeze %dma_start3A_82 : memref<1x128xi32, #tpu.memory_space<vmem>> -> memref<128xi32, #tpu.memory_space<vmem>>
    %dma_start3A_84 = arith.constant 0 : i32
    %dma_start3A_85 = arith.constant 0 : i32
    %dma_start3A_86 = tpu.memref_slice %arg4[%dma_start3A_84, %dma_start3A_85] : memref<128000x32xi32, #tpu.memory_space<hbm>> -> memref<128000x32xi32, #tpu.memory_space<hbm>>
    tpu.enqueue_indirect_dma source(%dma_start3A_86 : memref<128000x32xi32, #tpu.memory_space<hbm>>) target(%arg8 : memref<128x32xi32, #tpu.memory_space<vmem>>) offsets(%dma_start3A_83 : memref<128xi32, #tpu.memory_space<vmem>>) semaphore(%arg14 : memref<!tpu.dma_semaphore, #tpu.memory_space<semaphore_mem>>)
    %dma_start3A_87 = arith.constant 2 : i32
    %dma_start3A_88 = arith.constant 0 : i32
    %dma_start3A_89 = tpu.memref_slice %arg6[%dma_start3A_87, %dma_start3A_88] : memref<128x128xi32, #tpu.memory_space<vmem>> -> memref<1x128xi32, #tpu.memory_space<vmem>>
    %dma_start3A_90 = tpu.memref_squeeze %dma_start3A_89 : memref<1x128xi32, #tpu.memory_space<vmem>> -> memref<128xi32, #tpu.memory_space<vmem>>
    %dma_start3A_91 = arith.constant 0 : i32
    %dma_start3A_92 = arith.constant 0 : i32
    %dma_start3A_93 = tpu.memref_slice %arg4[%dma_start3A_91, %dma_start3A_92] : memref<128000x32xi32, #tpu.memory_space<hbm>> -> memref<128000x32xi32, #tpu.memory_space<hbm>>
    tpu.enqueue_indirect_dma source(%dma_start3A_93 : memref<128000x32xi32, #tpu.memory_space<hbm>>) target(%arg9 : memref<128x32xi32, #tpu.memory_space<vmem>>) offsets(%dma_start3A_90 : memref<128xi32, #tpu.memory_space<vmem>>) semaphore(%arg15 : memref<!tpu.dma_semaphore, #tpu.memory_space<semaphore_mem>>)
    %dma_start3A_94 = arith.constant 3 : i32
    %dma_start3A_95 = arith.constant 0 : i32
    %dma_start3A_96 = tpu.memref_slice %arg6[%dma_start3A_94, %dma_start3A_95] : memref<128x128xi32, #tpu.memory_space<vmem>> -> memref<1x128xi32, #tpu.memory_space<vmem>>
    %dma_start3A_97 = tpu.memref_squeeze %dma_start3A_96 : memref<1x128xi32, #tpu.memory_space<vmem>> -> memref<128xi32, #tpu.memory_space<vmem>>
    %dma_start3A_98 = arith.constant 0 : i32
    %dma_start3A_99 = arith.constant 0 : i32
    %dma_start3A_100 = tpu.memref_slice %arg4[%dma_start3A_98, %dma_start3A_99] : memref<128000x32xi32, #tpu.memory_space<hbm>> -> memref<128000x32xi32, #tpu.memory_space<hbm>>
    tpu.enqueue_indirect_dma source(%dma_start3A_100 : memref<128000x32xi32, #tpu.memory_space<hbm>>) target(%arg10 : memref<128x32xi32, #tpu.memory_space<vmem>>) offsets(%dma_start3A_97 : memref<128xi32, #tpu.memory_space<vmem>>) semaphore(%arg16 : memref<!tpu.dma_semaphore, #tpu.memory_space<semaphore_mem>>)
    %broadcast_in_dim3A = arith.constant 0.000000e+00 : f32
    %broadcast_in_dim3A_101 = vector.broadcast %broadcast_in_dim3A : f32 to vector<16xf32>
    %scan3A_102 = arith.constant 0 : i32
    %scan3A_103 = arith.constant 32 : i32
    %scan3A_104 = arith.addi %scan3A_102, %scan3A_103 : i32
    %scan3A_105 = arith.constant 1 : i32
    %scan3A_106 = scf.for %scan3A_108 = %scan3A_102 to %scan3A_104 step %scan3A_105 iter_args(%scan3A_109 = %broadcast_in_dim3A_101) -> (vector<16xf32>)  : i32 {
      %mul3A_110 = arith.constant 4 : i32
      %mul3A_111 = arith.muli %mul3A_110, %scan3A_108 : i32
      %dma_wait3A = arith.constant 0 : i32
      %dma_wait3A_112 = arith.constant 0 : i32
      %dma_wait3A_113 = tpu.memref_slice %arg4[%dma_wait3A, %dma_wait3A_112] : memref<128000x32xi32, #tpu.memory_space<hbm>> -> memref<128x32xi32, #tpu.memory_space<hbm>>
      %dma_wait3A_114 = arith.constant 0 : i32
      %dma_wait3A_115 = arith.constant 0 : i32
      %dma_wait3A_116 = tpu.memref_slice %arg4[%dma_wait3A_114, %dma_wait3A_115] : memref<128000x32xi32, #tpu.memory_space<hbm>> -> memref<128x32xi32, #tpu.memory_space<hbm>>
      tpu.wait_dma2 semaphore(%arg13 : memref<!tpu.dma_semaphore, #tpu.memory_space<semaphore_mem>>) src(%dma_wait3A_116 : memref<128x32xi32, #tpu.memory_space<hbm>>) dst(%arg7 : memref<128x32xi32, #tpu.memory_space<vmem>>)
      %dma_wait3A_117 = arith.constant 0 : i32
      %dma_wait3A_118 = arith.constant 0 : i32
      %dma_wait3A_119 = tpu.memref_slice %arg4[%dma_wait3A_117, %dma_wait3A_118] : memref<128000x32xi32, #tpu.memory_space<hbm>> -> memref<128x32xi32, #tpu.memory_space<hbm>>
      %dma_wait3A_120 = arith.constant 0 : i32
      %dma_wait3A_121 = arith.constant 0 : i32
      %dma_wait3A_122 = tpu.memref_slice %arg4[%dma_wait3A_120, %dma_wait3A_121] : memref<128000x32xi32, #tpu.memory_space<hbm>> -> memref<128x32xi32, #tpu.memory_space<hbm>>
      tpu.wait_dma2 semaphore(%arg14 : memref<!tpu.dma_semaphore, #tpu.memory_space<semaphore_mem>>) src(%dma_wait3A_122 : memref<128x32xi32, #tpu.memory_space<hbm>>) dst(%arg8 : memref<128x32xi32, #tpu.memory_space<vmem>>)
      %broadcast_in_dim3A_123 = arith.constant 0.000000e+00 : f32
      %broadcast_in_dim3A_124 = vector.broadcast %broadcast_in_dim3A_123 : f32 to vector<16xf32>
      %parallel_loop3A = arith.constant 0 : i32
      %parallel_loop3A_125 = arith.constant 32 : i32
      %parallel_loop3A_126 = arith.constant 1 : i32
      %parallel_loop3A_127:8 = scf.for %parallel_loop3A_984 = %parallel_loop3A to %parallel_loop3A_125 step %parallel_loop3A_126 iter_args(%parallel_loop3A_985 = %broadcast_in_dim3A_124, %parallel_loop3A_986 = %broadcast_in_dim3A_124, %parallel_loop3A_987 = %broadcast_in_dim3A_124, %parallel_loop3A_988 = %broadcast_in_dim3A_124, %parallel_loop3A_989 = %broadcast_in_dim3A_124, %parallel_loop3A_990 = %broadcast_in_dim3A_124, %parallel_loop3A_991 = %broadcast_in_dim3A_124, %parallel_loop3A_992 = %broadcast_in_dim3A_124) -> (vector<16xf32>, vector<16xf32>, vector<16xf32>, vector<16xf32>, vector<16xf32>, vector<16xf32>, vector<16xf32>, vector<16xf32>)  : i32 {
        %parallel_loop3A_993 = arith.constant 4 : i32
        %parallel_loop3A_994 = arith.muli %parallel_loop3A_984, %parallel_loop3A_993 : i32
        %parallel_loop3A_995 = arith.constant 0 : i32
        %parallel_loop3A_996 = arith.addi %parallel_loop3A_994, %parallel_loop3A_995 : i32
        %parallel_loop3A_997 = arith.index_cast %parallel_loop3A_996 : i32 to index
        %parallel_loop3A_998 = arith.constant 0 : index
        %parallel_loop3A_999 = tpu.vector_load %arg7[%parallel_loop3A_997, %parallel_loop3A_998] {strides = array<i32>} : memref<128x32xi32, #tpu.memory_space<vmem>>, vector<1x16xi32>,
        %parallel_loop3A_1000 = vector.shape_cast %parallel_loop3A_999 : vector<1x16xi32> to vector<16xi32>
        %parallel_loop3A_1001 = arith.constant 16 : i32
        %parallel_loop3A_1002 = vector.broadcast %parallel_loop3A_1001 : i32 to vector<16xi32>
        %parallel_loop3A_1003 = arith.shli %parallel_loop3A_1000, %parallel_loop3A_1002 : vector<16xi32>
        %parallel_loop3A_1004 = tpu.bitcast %parallel_loop3A_1003 : vector<16xi32> -> vector<16xf32>
        %parallel_loop3A_1005 = arith.constant -65536 : i32
        %parallel_loop3A_1006 = vector.broadcast %parallel_loop3A_1005 : i32 to vector<16xi32>
        %parallel_loop3A_1007 = arith.andi %parallel_loop3A_1000, %parallel_loop3A_1006 : vector<16xi32>
        %parallel_loop3A_1008 = tpu.bitcast %parallel_loop3A_1007 : vector<16xi32> -> vector<16xf32>
        %parallel_loop3A_1009 = arith.index_cast %parallel_loop3A_996 : i32 to index
        %parallel_loop3A_1010 = arith.constant 0 : index
        %parallel_loop3A_1011 = tpu.vector_load %arg8[%parallel_loop3A_1009, %parallel_loop3A_1010] {strides = array<i32>} : memref<128x32xi32, #tpu.memory_space<vmem>>, vector<1x16xi32>,
        %parallel_loop3A_1012 = vector.shape_cast %parallel_loop3A_1011 : vector<1x16xi32> to vector<16xi32>
        %parallel_loop3A_1013 = arith.constant 16 : i32
        %parallel_loop3A_1014 = vector.broadcast %parallel_loop3A_1013 : i32 to vector<16xi32>
        %parallel_loop3A_1015 = arith.shli %parallel_loop3A_1012, %parallel_loop3A_1014 : vector<16xi32>
        %parallel_loop3A_1016 = tpu.bitcast %parallel_loop3A_1015 : vector<16xi32> -> vector<16xf32>
        %parallel_loop3A_1017 = arith.constant -65536 : i32
        %parallel_loop3A_1018 = vector.broadcast %parallel_loop3A_1017 : i32 to vector<16xi32>
        %parallel_loop3A_1019 = arith.andi %parallel_loop3A_1012, %parallel_loop3A_1018 : vector<16xi32>
        %parallel_loop3A_1020 = tpu.bitcast %parallel_loop3A_1019 : vector<16xi32> -> vector<16xf32>
        %parallel_loop3A_1021 = arith.addf %parallel_loop3A_985, %parallel_loop3A_1004 : vector<16xf32>
        %parallel_loop3A_1022 = arith.addf %parallel_loop3A_986, %parallel_loop3A_1008 : vector<16xf32>
        %parallel_loop3A_1023 = arith.addf %parallel_loop3A_989, %parallel_loop3A_1016 : vector<16xf32>
        %parallel_loop3A_1024 = arith.addf %parallel_loop3A_990, %parallel_loop3A_1020 : vector<16xf32>
        %parallel_loop3A_1025 = arith.index_cast %parallel_loop3A_996 : i32 to index
        %parallel_loop3A_1026 = arith.constant 16 : index
        %parallel_loop3A_1027 = tpu.vector_load %arg7[%parallel_loop3A_1025, %parallel_loop3A_1026] {strides = array<i32>} : memref<128x32xi32, #tpu.memory_space<vmem>>, vector<1x16xi32>,
        %parallel_loop3A_1028 = vector.shape_cast %parallel_loop3A_1027 : vector<1x16xi32> to vector<16xi32>
        %parallel_loop3A_1029 = arith.constant 16 : i32
        %parallel_loop3A_1030 = vector.broadcast %parallel_loop3A_1029 : i32 to vector<16xi32>
        %parallel_loop3A_1031 = arith.shli %parallel_loop3A_1028, %parallel_loop3A_1030 : vector<16xi32>
        %parallel_loop3A_1032 = tpu.bitcast %parallel_loop3A_1031 : vector<16xi32> -> vector<16xf32>
        %parallel_loop3A_1033 = arith.constant -65536 : i32
        %parallel_loop3A_1034 = vector.broadcast %parallel_loop3A_1033 : i32 to vector<16xi32>
        %parallel_loop3A_1035 = arith.andi %parallel_loop3A_1028, %parallel_loop3A_1034 : vector<16xi32>
        %parallel_loop3A_1036 = tpu.bitcast %parallel_loop3A_1035 : vector<16xi32> -> vector<16xf32>
        %parallel_loop3A_1037 = arith.index_cast %parallel_loop3A_996 : i32 to index
        %parallel_loop3A_1038 = arith.constant 16 : index
        %parallel_loop3A_1039 = tpu.vector_load %arg8[%parallel_loop3A_1037, %parallel_loop3A_1038] {strides = array<i32>} : memref<128x32xi32, #tpu.memory_space<vmem>>, vector<1x16xi32>,
        %parallel_loop3A_1040 = vector.shape_cast %parallel_loop3A_1039 : vector<1x16xi32> to vector<16xi32>
        %parallel_loop3A_1041 = arith.constant 16 : i32
        %parallel_loop3A_1042 = vector.broadcast %parallel_loop3A_1041 : i32 to vector<16xi32>
        %parallel_loop3A_1043 = arith.shli %parallel_loop3A_1040, %parallel_loop3A_1042 : vector<16xi32>
        %parallel_loop3A_1044 = tpu.bitcast %parallel_loop3A_1043 : vector<16xi32> -> vector<16xf32>
        %parallel_loop3A_1045 = arith.constant -65536 : i32
        %parallel_loop3A_1046 = vector.broadcast %parallel_loop3A_1045 : i32 to vector<16xi32>
        %parallel_loop3A_1047 = arith.andi %parallel_loop3A_1040, %parallel_loop3A_1046 : vector<16xi32>
        %parallel_loop3A_1048 = tpu.bitcast %parallel_loop3A_1047 : vector<16xi32> -> vector<16xf32>
        %parallel_loop3A_1049 = arith.addf %parallel_loop3A_987, %parallel_loop3A_1032 : vector<16xf32>
        %parallel_loop3A_1050 = arith.addf %parallel_loop3A_988, %parallel_loop3A_1036 : vector<16xf32>
        %parallel_loop3A_1051 = arith.addf %parallel_loop3A_991, %parallel_loop3A_1044 : vector<16xf32>
        %parallel_loop3A_1052 = arith.addf %parallel_loop3A_992, %parallel_loop3A_1048 : vector<16xf32>
        %parallel_loop3A_1053 = arith.constant 4 : i32
        %parallel_loop3A_1054 = arith.muli %parallel_loop3A_984, %parallel_loop3A_1053 : i32
        %parallel_loop3A_1055 = arith.constant 1 : i32
        %parallel_loop3A_1056 = arith.addi %parallel_loop3A_1054, %parallel_loop3A_1055 : i32
        %parallel_loop3A_1057 = arith.index_cast %parallel_loop3A_1056 : i32 to index
        %parallel_loop3A_1058 = arith.constant 0 : index
        %parallel_loop3A_1059 = tpu.vector_load %arg7[%parallel_loop3A_1057, %parallel_loop3A_1058] {strides = array<i32>} : memref<128x32xi32, #tpu.memory_space<vmem>>, vector<1x16xi32>,
        %parallel_loop3A_1060 = vector.shape_cast %parallel_loop3A_1059 : vector<1x16xi32> to vector<16xi32>
        %parallel_loop3A_1061 = arith.constant 16 : i32
        %parallel_loop3A_1062 = vector.broadcast %parallel_loop3A_1061 : i32 to vector<16xi32>
        %parallel_loop3A_1063 = arith.shli %parallel_loop3A_1060, %parallel_loop3A_1062 : vector<16xi32>
        %parallel_loop3A_1064 = tpu.bitcast %parallel_loop3A_1063 : vector<16xi32> -> vector<16xf32>
        %parallel_loop3A_1065 = arith.constant -65536 : i32
        %parallel_loop3A_1066 = vector.broadcast %parallel_loop3A_1065 : i32 to vector<16xi32>
        %parallel_loop3A_1067 = arith.andi %parallel_loop3A_1060, %parallel_loop3A_1066 : vector<16xi32>
        %parallel_loop3A_1068 = tpu.bitcast %parallel_loop3A_1067 : vector<16xi32> -> vector<16xf32>
        %parallel_loop3A_1069 = arith.index_cast %parallel_loop3A_1056 : i32 to index
        %parallel_loop3A_1070 = arith.constant 0 : index
        %parallel_loop3A_1071 = tpu.vector_load %arg8[%parallel_loop3A_1069, %parallel_loop3A_1070] {strides = array<i32>} : memref<128x32xi32, #tpu.memory_space<vmem>>, vector<1x16xi32>,
        %parallel_loop3A_1072 = vector.shape_cast %parallel_loop3A_1071 : vector<1x16xi32> to vector<16xi32>
        %parallel_loop3A_1073 = arith.constant 16 : i32
        %parallel_loop3A_1074 = vector.broadcast %parallel_loop3A_1073 : i32 to vector<16xi32>
        %parallel_loop3A_1075 = arith.shli %parallel_loop3A_1072, %parallel_loop3A_1074 : vector<16xi32>
        %parallel_loop3A_1076 = tpu.bitcast %parallel_loop3A_1075 : vector<16xi32> -> vector<16xf32>
        %parallel_loop3A_1077 = arith.constant -65536 : i32
        %parallel_loop3A_1078 = vector.broadcast %parallel_loop3A_1077 : i32 to vector<16xi32>
        %parallel_loop3A_1079 = arith.andi %parallel_loop3A_1072, %parallel_loop3A_1078 : vector<16xi32>
        %parallel_loop3A_1080 = tpu.bitcast %parallel_loop3A_1079 : vector<16xi32> -> vector<16xf32>
        %parallel_loop3A_1081 = arith.addf %parallel_loop3A_1021, %parallel_loop3A_1064 : vector<16xf32>
        %parallel_loop3A_1082 = arith.addf %parallel_loop3A_1022, %parallel_loop3A_1068 : vector<16xf32>
        %parallel_loop3A_1083 = arith.addf %parallel_loop3A_1023, %parallel_loop3A_1076 : vector<16xf32>
        %parallel_loop3A_1084 = arith.addf %parallel_loop3A_1024, %parallel_loop3A_1080 : vector<16xf32>
        %parallel_loop3A_1085 = arith.index_cast %parallel_loop3A_1056 : i32 to index
        %parallel_loop3A_1086 = arith.constant 16 : index
        %parallel_loop3A_1087 = tpu.vector_load %arg7[%parallel_loop3A_1085, %parallel_loop3A_1086] {strides = array<i32>} : memref<128x32xi32, #tpu.memory_space<vmem>>, vector<1x16xi32>,
        %parallel_loop3A_1088 = vector.shape_cast %parallel_loop3A_1087 : vector<1x16xi32> to vector<16xi32>
        %parallel_loop3A_1089 = arith.constant 16 : i32
        %parallel_loop3A_1090 = vector.broadcast %parallel_loop3A_1089 : i32 to vector<16xi32>
        %parallel_loop3A_1091 = arith.shli %parallel_loop3A_1088, %parallel_loop3A_1090 : vector<16xi32>
        %parallel_loop3A_1092 = tpu.bitcast %parallel_loop3A_1091 : vector<16xi32> -> vector<16xf32>
        %parallel_loop3A_1093 = arith.constant -65536 : i32
        %parallel_loop3A_1094 = vector.broadcast %parallel_loop3A_1093 : i32 to vector<16xi32>
        %parallel_loop3A_1095 = arith.andi %parallel_loop3A_1088, %parallel_loop3A_1094 : vector<16xi32>
        %parallel_loop3A_1096 = tpu.bitcast %parallel_loop3A_1095 : vector<16xi32> -> vector<16xf32>
        %parallel_loop3A_1097 = arith.index_cast %parallel_loop3A_1056 : i32 to index
        %parallel_loop3A_1098 = arith.constant 16 : index
        %parallel_loop3A_1099 = tpu.vector_load %arg8[%parallel_loop3A_1097, %parallel_loop3A_1098] {strides = array<i32>} : memref<128x32xi32, #tpu.memory_space<vmem>>, vector<1x16xi32>,
        %parallel_loop3A_1100 = vector.shape_cast %parallel_loop3A_1099 : vector<1x16xi32> to vector<16xi32>
        %parallel_loop3A_1101 = arith.constant 16 : i32
        %parallel_loop3A_1102 = vector.broadcast %parallel_loop3A_1101 : i32 to vector<16xi32>
        %parallel_loop3A_1103 = arith.shli %parallel_loop3A_1100, %parallel_loop3A_1102 : vector<16xi32>
        %parallel_loop3A_1104 = tpu.bitcast %parallel_loop3A_1103 : vector<16xi32> -> vector<16xf32>
        %parallel_loop3A_1105 = arith.constant -65536 : i32
        %parallel_loop3A_1106 = vector.broadcast %parallel_loop3A_1105 : i32 to vector<16xi32>
        %parallel_loop3A_1107 = arith.andi %parallel_loop3A_1100, %parallel_loop3A_1106 : vector<16xi32>
        %parallel_loop3A_1108 = tpu.bitcast %parallel_loop3A_1107 : vector<16xi32> -> vector<16xf32>
        %parallel_loop3A_1109 = arith.addf %parallel_loop3A_1049, %parallel_loop3A_1092 : vector<16xf32>
        %parallel_loop3A_1110 = arith.addf %parallel_loop3A_1050, %parallel_loop3A_1096 : vector<16xf32>
        %parallel_loop3A_1111 = arith.addf %parallel_loop3A_1051, %parallel_loop3A_1104 : vector<16xf32>
        %parallel_loop3A_1112 = arith.addf %parallel_loop3A_1052, %parallel_loop3A_1108 : vector<16xf32>
        %parallel_loop3A_1113 = arith.constant 4 : i32
        %parallel_loop3A_1114 = arith.muli %parallel_loop3A_984, %parallel_loop3A_1113 : i32
        %parallel_loop3A_1115 = arith.constant 2 : i32
        %parallel_loop3A_1116 = arith.addi %parallel_loop3A_1114, %parallel_loop3A_1115 : i32
        %parallel_loop3A_1117 = arith.index_cast %parallel_loop3A_1116 : i32 to index
        %parallel_loop3A_1118 = arith.constant 0 : index
        %parallel_loop3A_1119 = tpu.vector_load %arg7[%parallel_loop3A_1117, %parallel_loop3A_1118] {strides = array<i32>} : memref<128x32xi32, #tpu.memory_space<vmem>>, vector<1x16xi32>,
        %parallel_loop3A_1120 = vector.shape_cast %parallel_loop3A_1119 : vector<1x16xi32> to vector<16xi32>
        %parallel_loop3A_1121 = arith.constant 16 : i32
        %parallel_loop3A_1122 = vector.broadcast %parallel_loop3A_1121 : i32 to vector<16xi32>
        %parallel_loop3A_1123 = arith.shli %parallel_loop3A_1120, %parallel_loop3A_1122 : vector<16xi32>
        %parallel_loop3A_1124 = tpu.bitcast %parallel_loop3A_1123 : vector<16xi32> -> vector<16xf32>
        %parallel_loop3A_1125 = arith.constant -65536 : i32
        %parallel_loop3A_1126 = vector.broadcast %parallel_loop3A_1125 : i32 to vector<16xi32>
        %parallel_loop3A_1127 = arith.andi %parallel_loop3A_1120, %parallel_loop3A_1126 : vector<16xi32>
        %parallel_loop3A_1128 = tpu.bitcast %parallel_loop3A_1127 : vector<16xi32> -> vector<16xf32>
        %parallel_loop3A_1129 = arith.index_cast %parallel_loop3A_1116 : i32 to index
        %parallel_loop3A_1130 = arith.constant 0 : index
        %parallel_loop3A_1131 = tpu.vector_load %arg8[%parallel_loop3A_1129, %parallel_loop3A_1130] {strides = array<i32>} : memref<128x32xi32, #tpu.memory_space<vmem>>, vector<1x16xi32>,
        %parallel_loop3A_1132 = vector.shape_cast %parallel_loop3A_1131 : vector<1x16xi32> to vector<16xi32>
        %parallel_loop3A_1133 = arith.constant 16 : i32
        %parallel_loop3A_1134 = vector.broadcast %parallel_loop3A_1133 : i32 to vector<16xi32>
        %parallel_loop3A_1135 = arith.shli %parallel_loop3A_1132, %parallel_loop3A_1134 : vector<16xi32>
        %parallel_loop3A_1136 = tpu.bitcast %parallel_loop3A_1135 : vector<16xi32> -> vector<16xf32>
        %parallel_loop3A_1137 = arith.constant -65536 : i32
        %parallel_loop3A_1138 = vector.broadcast %parallel_loop3A_1137 : i32 to vector<16xi32>
        %parallel_loop3A_1139 = arith.andi %parallel_loop3A_1132, %parallel_loop3A_1138 : vector<16xi32>
        %parallel_loop3A_1140 = tpu.bitcast %parallel_loop3A_1139 : vector<16xi32> -> vector<16xf32>
        %parallel_loop3A_1141 = arith.addf %parallel_loop3A_1081, %parallel_loop3A_1124 : vector<16xf32>
        %parallel_loop3A_1142 = arith.addf %parallel_loop3A_1082, %parallel_loop3A_1128 : vector<16xf32>
        %parallel_loop3A_1143 = arith.addf %parallel_loop3A_1083, %parallel_loop3A_1136 : vector<16xf32>
        %parallel_loop3A_1144 = arith.addf %parallel_loop3A_1084, %parallel_loop3A_1140 : vector<16xf32>
        %parallel_loop3A_1145 = arith.index_cast %parallel_loop3A_1116 : i32 to index
        %parallel_loop3A_1146 = arith.constant 16 : index
        %parallel_loop3A_1147 = tpu.vector_load %arg7[%parallel_loop3A_1145, %parallel_loop3A_1146] {strides = array<i32>} : memref<128x32xi32, #tpu.memory_space<vmem>>, vector<1x16xi32>,
        %parallel_loop3A_1148 = vector.shape_cast %parallel_loop3A_1147 : vector<1x16xi32> to vector<16xi32>
        %parallel_loop3A_1149 = arith.constant 16 : i32
        %parallel_loop3A_1150 = vector.broadcast %parallel_loop3A_1149 : i32 to vector<16xi32>
        %parallel_loop3A_1151 = arith.shli %parallel_loop3A_1148, %parallel_loop3A_1150 : vector<16xi32>
        %parallel_loop3A_1152 = tpu.bitcast %parallel_loop3A_1151 : vector<16xi32> -> vector<16xf32>
        %parallel_loop3A_1153 = arith.constant -65536 : i32
        %parallel_loop3A_1154 = vector.broadcast %parallel_loop3A_1153 : i32 to vector<16xi32>
        %parallel_loop3A_1155 = arith.andi %parallel_loop3A_1148, %parallel_loop3A_1154 : vector<16xi32>
        %parallel_loop3A_1156 = tpu.bitcast %parallel_loop3A_1155 : vector<16xi32> -> vector<16xf32>
        %parallel_loop3A_1157 = arith.index_cast %parallel_loop3A_1116 : i32 to index
        %parallel_loop3A_1158 = arith.constant 16 : index
        %parallel_loop3A_1159 = tpu.vector_load %arg8[%parallel_loop3A_1157, %parallel_loop3A_1158] {strides = array<i32>} : memref<128x32xi32, #tpu.memory_space<vmem>>, vector<1x16xi32>,
        %parallel_loop3A_1160 = vector.shape_cast %parallel_loop3A_1159 : vector<1x16xi32> to vector<16xi32>
        %parallel_loop3A_1161 = arith.constant 16 : i32
        %parallel_loop3A_1162 = vector.broadcast %parallel_loop3A_1161 : i32 to vector<16xi32>
        %parallel_loop3A_1163 = arith.shli %parallel_loop3A_1160, %parallel_loop3A_1162 : vector<16xi32>
        %parallel_loop3A_1164 = tpu.bitcast %parallel_loop3A_1163 : vector<16xi32> -> vector<16xf32>
        %parallel_loop3A_1165 = arith.constant -65536 : i32
        %parallel_loop3A_1166 = vector.broadcast %parallel_loop3A_1165 : i32 to vector<16xi32>
        %parallel_loop3A_1167 = arith.andi %parallel_loop3A_1160, %parallel_loop3A_1166 : vector<16xi32>
        %parallel_loop3A_1168 = tpu.bitcast %parallel_loop3A_1167 : vector<16xi32> -> vector<16xf32>
        %parallel_loop3A_1169 = arith.addf %parallel_loop3A_1109, %parallel_loop3A_1152 : vector<16xf32>
        %parallel_loop3A_1170 = arith.addf %parallel_loop3A_1110, %parallel_loop3A_1156 : vector<16xf32>
        %parallel_loop3A_1171 = arith.addf %parallel_loop3A_1111, %parallel_loop3A_1164 : vector<16xf32>
        %parallel_loop3A_1172 = arith.addf %parallel_loop3A_1112, %parallel_loop3A_1168 : vector<16xf32>
        %parallel_loop3A_1173 = arith.constant 4 : i32
        %parallel_loop3A_1174 = arith.muli %parallel_loop3A_984, %parallel_loop3A_1173 : i32
        %parallel_loop3A_1175 = arith.constant 3 : i32
        %parallel_loop3A_1176 = arith.addi %parallel_loop3A_1174, %parallel_loop3A_1175 : i32
        %parallel_loop3A_1177 = arith.index_cast %parallel_loop3A_1176 : i32 to index
        %parallel_loop3A_1178 = arith.constant 0 : index
        %parallel_loop3A_1179 = tpu.vector_load %arg7[%parallel_loop3A_1177, %parallel_loop3A_1178] {strides = array<i32>} : memref<128x32xi32, #tpu.memory_space<vmem>>, vector<1x16xi32>,
        %parallel_loop3A_1180 = vector.shape_cast %parallel_loop3A_1179 : vector<1x16xi32> to vector<16xi32>
        %parallel_loop3A_1181 = arith.constant 16 : i32
        %parallel_loop3A_1182 = vector.broadcast %parallel_loop3A_1181 : i32 to vector<16xi32>
        %parallel_loop3A_1183 = arith.shli %parallel_loop3A_1180, %parallel_loop3A_1182 : vector<16xi32>
        %parallel_loop3A_1184 = tpu.bitcast %parallel_loop3A_1183 : vector<16xi32> -> vector<16xf32>
        %parallel_loop3A_1185 = arith.constant -65536 : i32
        %parallel_loop3A_1186 = vector.broadcast %parallel_loop3A_1185 : i32 to vector<16xi32>
        %parallel_loop3A_1187 = arith.andi %parallel_loop3A_1180, %parallel_loop3A_1186 : vector<16xi32>
        %parallel_loop3A_1188 = tpu.bitcast %parallel_loop3A_1187 : vector<16xi32> -> vector<16xf32>
        %parallel_loop3A_1189 = arith.index_cast %parallel_loop3A_1176 : i32 to index
        %parallel_loop3A_1190 = arith.constant 0 : index
        %parallel_loop3A_1191 = tpu.vector_load %arg8[%parallel_loop3A_1189, %parallel_loop3A_1190] {strides = array<i32>} : memref<128x32xi32, #tpu.memory_space<vmem>>, vector<1x16xi32>,
        %parallel_loop3A_1192 = vector.shape_cast %parallel_loop3A_1191 : vector<1x16xi32> to vector<16xi32>
        %parallel_loop3A_1193 = arith.constant 16 : i32
        %parallel_loop3A_1194 = vector.broadcast %parallel_loop3A_1193 : i32 to vector<16xi32>
        %parallel_loop3A_1195 = arith.shli %parallel_loop3A_1192, %parallel_loop3A_1194 : vector<16xi32>
        %parallel_loop3A_1196 = tpu.bitcast %parallel_loop3A_1195 : vector<16xi32> -> vector<16xf32>
        %parallel_loop3A_1197 = arith.constant -65536 : i32
        %parallel_loop3A_1198 = vector.broadcast %parallel_loop3A_1197 : i32 to vector<16xi32>
        %parallel_loop3A_1199 = arith.andi %parallel_loop3A_1192, %parallel_loop3A_1198 : vector<16xi32>
        %parallel_loop3A_1200 = tpu.bitcast %parallel_loop3A_1199 : vector<16xi32> -> vector<16xf32>
        %parallel_loop3A_1201 = arith.addf %parallel_loop3A_1141, %parallel_loop3A_1184 : vector<16xf32>
        %parallel_loop3A_1202 = arith.addf %parallel_loop3A_1142, %parallel_loop3A_1188 : vector<16xf32>
        %parallel_loop3A_1203 = arith.addf %parallel_loop3A_1143, %parallel_loop3A_1196 : vector<16xf32>
        %parallel_loop3A_1204 = arith.addf %parallel_loop3A_1144, %parallel_loop3A_1200 : vector<16xf32>
        %parallel_loop3A_1205 = arith.index_cast %parallel_loop3A_1176 : i32 to index
        %parallel_loop3A_1206 = arith.constant 16 : index
        %parallel_loop3A_1207 = tpu.vector_load %arg7[%parallel_loop3A_1205, %parallel_loop3A_1206] {strides = array<i32>} : memref<128x32xi32, #tpu.memory_space<vmem>>, vector<1x16xi32>,
        %parallel_loop3A_1208 = vector.shape_cast %parallel_loop3A_1207 : vector<1x16xi32> to vector<16xi32>
        %parallel_loop3A_1209 = arith.constant 16 : i32
        %parallel_loop3A_1210 = vector.broadcast %parallel_loop3A_1209 : i32 to vector<16xi32>
        %parallel_loop3A_1211 = arith.shli %parallel_loop3A_1208, %parallel_loop3A_1210 : vector<16xi32>
        %parallel_loop3A_1212 = tpu.bitcast %parallel_loop3A_1211 : vector<16xi32> -> vector<16xf32>
        %parallel_loop3A_1213 = arith.constant -65536 : i32
        %parallel_loop3A_1214 = vector.broadcast %parallel_loop3A_1213 : i32 to vector<16xi32>
        %parallel_loop3A_1215 = arith.andi %parallel_loop3A_1208, %parallel_loop3A_1214 : vector<16xi32>
        %parallel_loop3A_1216 = tpu.bitcast %parallel_loop3A_1215 : vector<16xi32> -> vector<16xf32>
        %parallel_loop3A_1217 = arith.index_cast %parallel_loop3A_1176 : i32 to index
        %parallel_loop3A_1218 = arith.constant 16 : index
        %parallel_loop3A_1219 = tpu.vector_load %arg8[%parallel_loop3A_1217, %parallel_loop3A_1218] {strides = array<i32>} : memref<128x32xi32, #tpu.memory_space<vmem>>, vector<1x16xi32>,
        %parallel_loop3A_1220 = vector.shape_cast %parallel_loop3A_1219 : vector<1x16xi32> to vector<16xi32>
        %parallel_loop3A_1221 = arith.constant 16 : i32
        %parallel_loop3A_1222 = vector.broadcast %parallel_loop3A_1221 : i32 to vector<16xi32>
        %parallel_loop3A_1223 = arith.shli %parallel_loop3A_1220, %parallel_loop3A_1222 : vector<16xi32>
        %parallel_loop3A_1224 = tpu.bitcast %parallel_loop3A_1223 : vector<16xi32> -> vector<16xf32>
        %parallel_loop3A_1225 = arith.constant -65536 : i32
        %parallel_loop3A_1226 = vector.broadcast %parallel_loop3A_1225 : i32 to vector<16xi32>
        %parallel_loop3A_1227 = arith.andi %parallel_loop3A_1220, %parallel_loop3A_1226 : vector<16xi32>
        %parallel_loop3A_1228 = tpu.bitcast %parallel_loop3A_1227 : vector<16xi32> -> vector<16xf32>
        %parallel_loop3A_1229 = arith.addf %parallel_loop3A_1169, %parallel_loop3A_1212 : vector<16xf32>
        %parallel_loop3A_1230 = arith.addf %parallel_loop3A_1170, %parallel_loop3A_1216 : vector<16xf32>
        %parallel_loop3A_1231 = arith.addf %parallel_loop3A_1171, %parallel_loop3A_1224 : vector<16xf32>
        %parallel_loop3A_1232 = arith.addf %parallel_loop3A_1172, %parallel_loop3A_1228 : vector<16xf32>
        scf.yield %parallel_loop3A_1201, %parallel_loop3A_1202, %parallel_loop3A_1229, %parallel_loop3A_1230, %parallel_loop3A_1203, %parallel_loop3A_1204, %parallel_loop3A_1231, %parallel_loop3A_1232 : vector<16xf32>, vector<16xf32>, vector<16xf32>, vector<16xf32>, vector<16xf32>, vector<16xf32>, vector<16xf32>, vector<16xf32>
      } {sc.loop_unroll_factor = 2 : i64, sc.parallel_access}
      %add3A_128 = arith.constant 0 : i32
      %add3A_129 = arith.addi %mul3A_111, %add3A_128 : i32
      %add3A_130 = arith.constant 0 : i32
      %add3A_131 = arith.addi %add3A_129, %add3A_130 : i32
      %add3A_132 = arith.addf %parallel_loop3A_127#0, %get3A_64 : vector<16xf32>
      %add3A_133 = arith.addf %parallel_loop3A_127#1, %get3A_67 : vector<16xf32>
      %add3A_134 = arith.addf %parallel_loop3A_127#2, %get3A_70 : vector<16xf32>
      %add3A_135 = arith.addf %parallel_loop3A_127#3, %get3A_73 : vector<16xf32>
      %max3A = arith.maximumf %add3A_132, %add3A_133 : vector<16xf32>
      %max3A_136 = arith.maximumf %add3A_134, %add3A_135 : vector<16xf32>
      %max3A_137 = arith.maximumf %max3A, %max3A_136 : vector<16xf32>
      %iota3A_138 = tpu.iota {dimensions = array<i32: 0>} : vector<16xi32>
      %xor3A = arith.constant 8 : i32
      %xor3A_139 = vector.broadcast %xor3A : i32 to vector<16xi32>
      %xor3A_140 = arith.xori %iota3A_138, %xor3A_139 : vector<16xi32>
      %lt3A = arith.constant 0 : i32
      %lt3A_141 = vector.broadcast %lt3A : i32 to vector<16xi32>
      %lt3A_142 = arith.cmpi slt, %xor3A_140, %lt3A_141 : vector<16xi32>
      %add3A_143 = arith.constant 16 : i32
      %add3A_144 = vector.broadcast %add3A_143 : i32 to vector<16xi32>
      %add3A_145 = arith.addi %xor3A_140, %add3A_144 : vector<16xi32>
      %select_n3A = arith.select %lt3A_142, %add3A_145, %xor3A_140 : vector<16xi1>, vector<16xi32>
      %broadcast_in_dim3A_146 = vector.shape_cast %select_n3A : vector<16xi32> to vector<16x1xi32>
      %gather3A = vector.shape_cast %broadcast_in_dim3A_146 : vector<16x1xi32> to vector<16xi32>
      %gather3A_147 = tpu.dynamic_gather %max3A_137[%gather3A] in [0] : vector<16xf32>, vector<16xi32> -> vector<16xf32>
      %max3A_148 = arith.maximumf %max3A_137, %gather3A_147 : vector<16xf32>
      %xor3A_149 = arith.constant 4 : i32
      %xor3A_150 = vector.broadcast %xor3A_149 : i32 to vector<16xi32>
      %xor3A_151 = arith.xori %iota3A_138, %xor3A_150 : vector<16xi32>
      %lt3A_152 = arith.constant 0 : i32
      %lt3A_153 = vector.broadcast %lt3A_152 : i32 to vector<16xi32>
      %lt3A_154 = arith.cmpi slt, %xor3A_151, %lt3A_153 : vector<16xi32>
      %add3A_155 = arith.constant 16 : i32
      %add3A_156 = vector.broadcast %add3A_155 : i32 to vector<16xi32>
      %add3A_157 = arith.addi %xor3A_151, %add3A_156 : vector<16xi32>
      %select_n3A_158 = arith.select %lt3A_154, %add3A_157, %xor3A_151 : vector<16xi1>, vector<16xi32>
      %broadcast_in_dim3A_159 = vector.shape_cast %select_n3A_158 : vector<16xi32> to vector<16x1xi32>
      %gather3A_160 = vector.shape_cast %broadcast_in_dim3A_159 : vector<16x1xi32> to vector<16xi32>
      %gather3A_161 = tpu.dynamic_gather %max3A_148[%gather3A_160] in [0] : vector<16xf32>, vector<16xi32> -> vector<16xf32>
      %max3A_162 = arith.maximumf %max3A_148, %gather3A_161 : vector<16xf32>
      %xor3A_163 = arith.constant 2 : i32
      %xor3A_164 = vector.broadcast %xor3A_163 : i32 to vector<16xi32>
      %xor3A_165 = arith.xori %iota3A_138, %xor3A_164 : vector<16xi32>
      %lt3A_166 = arith.constant 0 : i32
      %lt3A_167 = vector.broadcast %lt3A_166 : i32 to vector<16xi32>
      %lt3A_168 = arith.cmpi slt, %xor3A_165, %lt3A_167 : vector<16xi32>
      %add3A_169 = arith.constant 16 : i32
      %add3A_170 = vector.broadcast %add3A_169 : i32 to vector<16xi32>
      %add3A_171 = arith.addi %xor3A_165, %add3A_170 : vector<16xi32>
      %select_n3A_172 = arith.select %lt3A_168, %add3A_171, %xor3A_165 : vector<16xi1>, vector<16xi32>
      %broadcast_in_dim3A_173 = vector.shape_cast %select_n3A_172 : vector<16xi32> to vector<16x1xi32>
      %gather3A_174 = vector.shape_cast %broadcast_in_dim3A_173 : vector<16x1xi32> to vector<16xi32>
      %gather3A_175 = tpu.dynamic_gather %max3A_162[%gather3A_174] in [0] : vector<16xf32>, vector<16xi32> -> vector<16xf32>
      %max3A_176 = arith.maximumf %max3A_162, %gather3A_175 : vector<16xf32>
      %xor3A_177 = arith.constant 1 : i32
      %xor3A_178 = vector.broadcast %xor3A_177 : i32 to vector<16xi32>
      %xor3A_179 = arith.xori %iota3A_138, %xor3A_178 : vector<16xi32>
      %lt3A_180 = arith.constant 0 : i32
      %lt3A_181 = vector.broadcast %lt3A_180 : i32 to vector<16xi32>
      %lt3A_182 = arith.cmpi slt, %xor3A_179, %lt3A_181 : vector<16xi32>
      %add3A_183 = arith.constant 16 : i32
      %add3A_184 = vector.broadcast %add3A_183 : i32 to vector<16xi32>
      %add3A_185 = arith.addi %xor3A_179, %add3A_184 : vector<16xi32>
      %select_n3A_186 = arith.select %lt3A_182, %add3A_185, %xor3A_179 : vector<16xi1>, vector<16xi32>
      %broadcast_in_dim3A_187 = vector.shape_cast %select_n3A_186 : vector<16xi32> to vector<16x1xi32>
      %gather3A_188 = vector.shape_cast %broadcast_in_dim3A_187 : vector<16x1xi32> to vector<16xi32>
      %gather3A_189 = tpu.dynamic_gather %max3A_176[%gather3A_188] in [0] : vector<16xf32>, vector<16xi32> -> vector<16xf32>
      %max3A_190 = arith.maximumf %max3A_176, %gather3A_189 : vector<16xf32>
      %sub3A = arith.subf %add3A_132, %max3A_190 : vector<16xf32>
      %exp3A = math.exp %sub3A : vector<16xf32>
      %sub3A_191 = arith.subf %add3A_133, %max3A_190 : vector<16xf32>
      %exp3A_192 = math.exp %sub3A_191 : vector<16xf32>
      %add3A_193 = arith.addf %exp3A, %exp3A_192 : vector<16xf32>
      %sub3A_194 = arith.subf %add3A_134, %max3A_190 : vector<16xf32>
      %exp3A_195 = math.exp %sub3A_194 : vector<16xf32>
      %add3A_196 = arith.addf %add3A_193, %exp3A_195 : vector<16xf32>
      %sub3A_197 = arith.subf %add3A_135, %max3A_190 : vector<16xf32>
      %exp3A_198 = math.exp %sub3A_197 : vector<16xf32>
      %add3A_199 = arith.addf %add3A_196, %exp3A_198 : vector<16xf32>
      %iota3A_200 = tpu.iota {dimensions = array<i32: 0>} : vector<16xi32>
      %xor3A_201 = arith.constant 8 : i32
      %xor3A_202 = vector.broadcast %xor3A_201 : i32 to vector<16xi32>
      %xor3A_203 = arith.xori %iota3A_200, %xor3A_202 : vector<16xi32>
      %lt3A_204 = arith.constant 0 : i32
      %lt3A_205 = vector.broadcast %lt3A_204 : i32 to vector<16xi32>
      %lt3A_206 = arith.cmpi slt, %xor3A_203, %lt3A_205 : vector<16xi32>
      %add3A_207 = arith.constant 16 : i32
      %add3A_208 = vector.broadcast %add3A_207 : i32 to vector<16xi32>
      %add3A_209 = arith.addi %xor3A_203, %add3A_208 : vector<16xi32>
      %select_n3A_210 = arith.select %lt3A_206, %add3A_209, %xor3A_203 : vector<16xi1>, vector<16xi32>
      %broadcast_in_dim3A_211 = vector.shape_cast %select_n3A_210 : vector<16xi32> to vector<16x1xi32>
      %gather3A_212 = vector.shape_cast %broadcast_in_dim3A_211 : vector<16x1xi32> to vector<16xi32>
      %gather3A_213 = tpu.dynamic_gather %add3A_199[%gather3A_212] in [0] : vector<16xf32>, vector<16xi32> -> vector<16xf32>
      %add3A_214 = arith.addf %add3A_199, %gather3A_213 : vector<16xf32>
      %xor3A_215 = arith.constant 4 : i32
      %xor3A_216 = vector.broadcast %xor3A_215 : i32 to vector<16xi32>
      %xor3A_217 = arith.xori %iota3A_200, %xor3A_216 : vector<16xi32>
      %lt3A_218 = arith.constant 0 : i32
      %lt3A_219 = vector.broadcast %lt3A_218 : i32 to vector<16xi32>
      %lt3A_220 = arith.cmpi slt, %xor3A_217, %lt3A_219 : vector<16xi32>
      %add3A_221 = arith.constant 16 : i32
      %add3A_222 = vector.broadcast %add3A_221 : i32 to vector<16xi32>
      %add3A_223 = arith.addi %xor3A_217, %add3A_222 : vector<16xi32>
      %select_n3A_224 = arith.select %lt3A_220, %add3A_223, %xor3A_217 : vector<16xi1>, vector<16xi32>
      %broadcast_in_dim3A_225 = vector.shape_cast %select_n3A_224 : vector<16xi32> to vector<16x1xi32>
      %gather3A_226 = vector.shape_cast %broadcast_in_dim3A_225 : vector<16x1xi32> to vector<16xi32>
      %gather3A_227 = tpu.dynamic_gather %add3A_214[%gather3A_226] in [0] : vector<16xf32>, vector<16xi32> -> vector<16xf32>
      %add3A_228 = arith.addf %add3A_214, %gather3A_227 : vector<16xf32>
      %xor3A_229 = arith.constant 2 : i32
      %xor3A_230 = vector.broadcast %xor3A_229 : i32 to vector<16xi32>
      %xor3A_231 = arith.xori %iota3A_200, %xor3A_230 : vector<16xi32>
      %lt3A_232 = arith.constant 0 : i32
      %lt3A_233 = vector.broadcast %lt3A_232 : i32 to vector<16xi32>
      %lt3A_234 = arith.cmpi slt, %xor3A_231, %lt3A_233 : vector<16xi32>
      %add3A_235 = arith.constant 16 : i32
      %add3A_236 = vector.broadcast %add3A_235 : i32 to vector<16xi32>
      %add3A_237 = arith.addi %xor3A_231, %add3A_236 : vector<16xi32>
      %select_n3A_238 = arith.select %lt3A_234, %add3A_237, %xor3A_231 : vector<16xi1>, vector<16xi32>
      %broadcast_in_dim3A_239 = vector.shape_cast %select_n3A_238 : vector<16xi32> to vector<16x1xi32>
      %gather3A_240 = vector.shape_cast %broadcast_in_dim3A_239 : vector<16x1xi32> to vector<16xi32>
      %gather3A_241 = tpu.dynamic_gather %add3A_228[%gather3A_240] in [0] : vector<16xf32>, vector<16xi32> -> vector<16xf32>
      %add3A_242 = arith.addf %add3A_228, %gather3A_241 : vector<16xf32>
      %xor3A_243 = arith.constant 1 : i32
      %xor3A_244 = vector.broadcast %xor3A_243 : i32 to vector<16xi32>
      %xor3A_245 = arith.xori %iota3A_200, %xor3A_244 : vector<16xi32>
      %lt3A_246 = arith.constant 0 : i32
      %lt3A_247 = vector.broadcast %lt3A_246 : i32 to vector<16xi32>
      %lt3A_248 = arith.cmpi slt, %xor3A_245, %lt3A_247 : vector<16xi32>
      %add3A_249 = arith.constant 16 : i32
      %add3A_250 = vector.broadcast %add3A_249 : i32 to vector<16xi32>
      %add3A_251 = arith.addi %xor3A_245, %add3A_250 : vector<16xi32>
      %select_n3A_252 = arith.select %lt3A_248, %add3A_251, %xor3A_245 : vector<16xi1>, vector<16xi32>
      %broadcast_in_dim3A_253 = vector.shape_cast %select_n3A_252 : vector<16xi32> to vector<16x1xi32>
      %gather3A_254 = vector.shape_cast %broadcast_in_dim3A_253 : vector<16x1xi32> to vector<16xi32>
      %gather3A_255 = tpu.dynamic_gather %add3A_242[%gather3A_254] in [0] : vector<16xf32>, vector<16xi32> -> vector<16xf32>
      %add3A_256 = arith.addf %add3A_242, %gather3A_255 : vector<16xf32>
      %bitcast_convert_type3A = tpu.bitcast %add3A_256 : vector<16xf32> -> vector<16xi32>
      %shift_right_arithmetic3A = arith.constant 23 : i32
      %shift_right_arithmetic3A_257 = vector.broadcast %shift_right_arithmetic3A : i32 to vector<16xi32>
      %shift_right_arithmetic3A_258 = arith.shrsi %bitcast_convert_type3A, %shift_right_arithmetic3A_257 : vector<16xi32>
      %and3A = arith.constant 255 : i32
      %and3A_259 = vector.broadcast %and3A : i32 to vector<16xi32>
      %and3A_260 = arith.andi %shift_right_arithmetic3A_258, %and3A_259 : vector<16xi32>
      %sub3A_261 = arith.constant 127 : i32
      %sub3A_262 = vector.broadcast %sub3A_261 : i32 to vector<16xi32>
      %sub3A_263 = arith.subi %and3A_260, %sub3A_262 : vector<16xi32>
      %and3A_264 = arith.constant 8388607 : i32
      %and3A_265 = vector.broadcast %and3A_264 : i32 to vector<16xi32>
      %and3A_266 = arith.andi %bitcast_convert_type3A, %and3A_265 : vector<16xi32>
      %or3A = arith.constant 1065353216 : i32
      %or3A_267 = vector.broadcast %or3A : i32 to vector<16xi32>
      %or3A_268 = arith.ori %and3A_266, %or3A_267 : vector<16xi32>
      %bitcast_convert_type3A_269 = tpu.bitcast %or3A_268 : vector<16xi32> -> vector<16xf32>
      %sub3A_270 = arith.constant 1.000000e+00 : f32
      %sub3A_271 = vector.broadcast %sub3A_270 : f32 to vector<16xf32>
      %sub3A_272 = arith.subf %bitcast_convert_type3A_269, %sub3A_271 : vector<16xf32>
      %add3A_273 = arith.constant 1.000000e+00 : f32
      %add3A_274 = vector.broadcast %add3A_273 : f32 to vector<16xf32>
      %add3A_275 = arith.addf %bitcast_convert_type3A_269, %add3A_274 : vector<16xf32>
      %div3A = arith.divf %sub3A_272, %add3A_275 : vector<16xf32>
      %mul3A_276 = arith.mulf %div3A, %div3A : vector<16xf32>
      %mul3A_277 = arith.constant 0.285714298 : f32
      %mul3A_278 = vector.broadcast %mul3A_277 : f32 to vector<16xf32>
      %mul3A_279 = arith.mulf %mul3A_276, %mul3A_278 : vector<16xf32>
      %add3A_280 = arith.constant 4.000000e-01 : f32
      %add3A_281 = vector.broadcast %add3A_280 : f32 to vector<16xf32>
      %add3A_282 = arith.addf %add3A_281, %mul3A_279 : vector<16xf32>
      %mul3A_283 = arith.mulf %mul3A_276, %add3A_282 : vector<16xf32>
      %add3A_284 = arith.constant 0.666666686 : f32
      %add3A_285 = vector.broadcast %add3A_284 : f32 to vector<16xf32>
      %add3A_286 = arith.addf %add3A_285, %mul3A_283 : vector<16xf32>
      %mul3A_287 = arith.mulf %mul3A_276, %add3A_286 : vector<16xf32>
      %add3A_288 = arith.constant 2.000000e+00 : f32
      %add3A_289 = vector.broadcast %add3A_288 : f32 to vector<16xf32>
      %add3A_290 = arith.addf %add3A_289, %mul3A_287 : vector<16xf32>
      %mul3A_291 = arith.mulf %div3A, %add3A_290 : vector<16xf32>
      %convert_element_type3A = arith.sitofp %sub3A_263 : vector<16xi32> to vector<16xf32>
      %mul3A_292 = arith.constant 0.693147182 : f32
      %mul3A_293 = vector.broadcast %mul3A_292 : f32 to vector<16xf32>
      %mul3A_294 = arith.mulf %convert_element_type3A, %mul3A_293 : vector<16xf32>
      %add3A_295 = arith.addf %mul3A_294, %mul3A_291 : vector<16xf32>
      %add3A_296 = arith.addf %add3A_295, %max3A_190 : vector<16xf32>
      %jit3A = arith.constant 16 : i32
      %eq3A = arith.constant 0 : i32
      %eq3A_297 = arith.cmpi eq, %jit3A, %eq3A : i32
      %jit3A_298 = arith.constant 1 : i32
      %select_n3A_299 = arith.select %eq3A_297, %jit3A_298, %jit3A : i32
      %rem3A = arith.remsi %add3A_131, %select_n3A_299 : i32
      %ne3A = arith.constant 0 : i32
      %ne3A_300 = arith.cmpi ne, %rem3A, %ne3A : i32
      %lt3A_301 = arith.constant 0 : i32
      %lt3A_302 = arith.cmpi slt, %rem3A, %lt3A_301 : i32
      %lt3A_303 = arith.constant 0 : i32
      %lt3A_304 = arith.cmpi slt, %select_n3A_299, %lt3A_303 : i32
      %ne3A_305 = arith.xori %lt3A_302, %lt3A_304 : i1
      %and3A_306 = arith.andi %ne3A_305, %ne3A_300 : i1
      %add3A_307 = arith.addi %rem3A, %select_n3A_299 : i32
      %select_n3A_308 = arith.select %and3A_306, %add3A_307, %rem3A : i32
      %iota3A_309 = tpu.iota {dimensions = array<i32: 0>} : vector<16xi32>
      %eq3A_310 = vector.broadcast %select_n3A_308 : i32 to vector<16xi32>
      %eq3A_311 = arith.cmpi eq, %iota3A_309, %eq3A_310 : vector<16xi32>
      %select_n3A_312 = arith.select %eq3A_311, %add3A_296, %scan3A_109 : vector<16xi1>, vector<16xf32>
      %eq3A_313 = arith.constant 15 : i32
      %eq3A_314 = arith.cmpi eq, %select_n3A_308, %eq3A_313 : i32
      %convert_element_type3A_315 = arith.extui %eq3A_314 : i1 to i32
      %cond3A = arith.constant 0 : i32
      %cond3A_316 = arith.cmpi ne, %convert_element_type3A_315, %cond3A : i32
      scf.if %cond3A_316 {
        %sub3A_984 = arith.constant 15 : i32
        %sub3A_985 = arith.subi %add3A_131, %sub3A_984 : i32
        %swap3A = arith.index_cast %sub3A_985 : i32 to index
        %swap3A_986 = tpu.vector_load %arg12[%swap3A] {strides = array<i32>} : memref<128xf32, #tpu.memory_space<vmem>>, vector<16xf32>,
        %swap3A_987 = vector.shape_cast %swap3A_986 : vector<16xf32> to vector<16xf32>
        %swap3A_988 = vector.shape_cast %select_n3A_312 : vector<16xf32> to vector<16xf32>
        tpu.vector_store %arg12[%swap3A], %swap3A_988 {strides = array<i32>} : memref<128xf32, #tpu.memory_space<vmem>>, vector<16xf32>,
      } else {
      }
      %add3A_317 = arith.constant 4 : i32
      %add3A_318 = arith.addi %add3A_131, %add3A_317 : i32
      %lt3A_319 = arith.constant 128 : i32
      %lt3A_320 = arith.cmpi slt, %add3A_318, %lt3A_319 : i32
      %convert_element_type3A_321 = arith.extui %lt3A_320 : i1 to i32
      %cond3A_322 = arith.constant 0 : i32
      %cond3A_323 = arith.cmpi ne, %convert_element_type3A_321, %cond3A_322 : i32
      scf.if %cond3A_323 {
        %add3A_984 = arith.constant 4 : i32
        %add3A_985 = arith.addi %add3A_131, %add3A_984 : i32
        %dma_start3A_986 = arith.constant 0 : i32
        %dma_start3A_987 = tpu.memref_slice %arg6[%add3A_985, %dma_start3A_986] : memref<128x128xi32, #tpu.memory_space<vmem>> -> memref<1x128xi32, #tpu.memory_space<vmem>>
        %dma_start3A_988 = tpu.memref_squeeze %dma_start3A_987 : memref<1x128xi32, #tpu.memory_space<vmem>> -> memref<128xi32, #tpu.memory_space<vmem>>
        %dma_start3A_989 = arith.constant 0 : i32
        %dma_start3A_990 = arith.constant 0 : i32
        %dma_start3A_991 = tpu.memref_slice %arg4[%dma_start3A_989, %dma_start3A_990] : memref<128000x32xi32, #tpu.memory_space<hbm>> -> memref<128000x32xi32, #tpu.memory_space<hbm>>
        tpu.enqueue_indirect_dma source(%dma_start3A_991 : memref<128000x32xi32, #tpu.memory_space<hbm>>) target(%arg7 : memref<128x32xi32, #tpu.memory_space<vmem>>) offsets(%dma_start3A_988 : memref<128xi32, #tpu.memory_space<vmem>>) semaphore(%arg13 : memref<!tpu.dma_semaphore, #tpu.memory_space<semaphore_mem>>)
      } else {
      }
      %add3A_324 = arith.constant 0 : i32
      %add3A_325 = arith.addi %mul3A_111, %add3A_324 : i32
      %add3A_326 = arith.constant 1 : i32
      %add3A_327 = arith.addi %add3A_325, %add3A_326 : i32
      %add3A_328 = arith.addf %parallel_loop3A_127#4, %get3A_64 : vector<16xf32>
      %add3A_329 = arith.addf %parallel_loop3A_127#5, %get3A_67 : vector<16xf32>
      %add3A_330 = arith.addf %parallel_loop3A_127#6, %get3A_70 : vector<16xf32>
      %add3A_331 = arith.addf %parallel_loop3A_127#7, %get3A_73 : vector<16xf32>
      %max3A_332 = arith.maximumf %add3A_328, %add3A_329 : vector<16xf32>
      %max3A_333 = arith.maximumf %add3A_330, %add3A_331 : vector<16xf32>
      %max3A_334 = arith.maximumf %max3A_332, %max3A_333 : vector<16xf32>
      %iota3A_335 = tpu.iota {dimensions = array<i32: 0>} : vector<16xi32>
      %xor3A_336 = arith.constant 8 : i32
      %xor3A_337 = vector.broadcast %xor3A_336 : i32 to vector<16xi32>
      %xor3A_338 = arith.xori %iota3A_335, %xor3A_337 : vector<16xi32>
      %lt3A_339 = arith.constant 0 : i32
      %lt3A_340 = vector.broadcast %lt3A_339 : i32 to vector<16xi32>
      %lt3A_341 = arith.cmpi slt, %xor3A_338, %lt3A_340 : vector<16xi32>
      %add3A_342 = arith.constant 16 : i32
      %add3A_343 = vector.broadcast %add3A_342 : i32 to vector<16xi32>
      %add3A_344 = arith.addi %xor3A_338, %add3A_343 : vector<16xi32>
      %select_n3A_345 = arith.select %lt3A_341, %add3A_344, %xor3A_338 : vector<16xi1>, vector<16xi32>
      %broadcast_in_dim3A_346 = vector.shape_cast %select_n3A_345 : vector<16xi32> to vector<16x1xi32>
      %gather3A_347 = vector.shape_cast %broadcast_in_dim3A_346 : vector<16x1xi32> to vector<16xi32>
      %gather3A_348 = tpu.dynamic_gather %max3A_334[%gather3A_347] in [0] : vector<16xf32>, vector<16xi32> -> vector<16xf32>
      %max3A_349 = arith.maximumf %max3A_334, %gather3A_348 : vector<16xf32>
      %xor3A_350 = arith.constant 4 : i32
      %xor3A_351 = vector.broadcast %xor3A_350 : i32 to vector<16xi32>
      %xor3A_352 = arith.xori %iota3A_335, %xor3A_351 : vector<16xi32>
      %lt3A_353 = arith.constant 0 : i32
      %lt3A_354 = vector.broadcast %lt3A_353 : i32 to vector<16xi32>
      %lt3A_355 = arith.cmpi slt, %xor3A_352, %lt3A_354 : vector<16xi32>
      %add3A_356 = arith.constant 16 : i32
      %add3A_357 = vector.broadcast %add3A_356 : i32 to vector<16xi32>
      %add3A_358 = arith.addi %xor3A_352, %add3A_357 : vector<16xi32>
      %select_n3A_359 = arith.select %lt3A_355, %add3A_358, %xor3A_352 : vector<16xi1>, vector<16xi32>
      %broadcast_in_dim3A_360 = vector.shape_cast %select_n3A_359 : vector<16xi32> to vector<16x1xi32>
      %gather3A_361 = vector.shape_cast %broadcast_in_dim3A_360 : vector<16x1xi32> to vector<16xi32>
      %gather3A_362 = tpu.dynamic_gather %max3A_349[%gather3A_361] in [0] : vector<16xf32>, vector<16xi32> -> vector<16xf32>
      %max3A_363 = arith.maximumf %max3A_349, %gather3A_362 : vector<16xf32>
      %xor3A_364 = arith.constant 2 : i32
      %xor3A_365 = vector.broadcast %xor3A_364 : i32 to vector<16xi32>
      %xor3A_366 = arith.xori %iota3A_335, %xor3A_365 : vector<16xi32>
      %lt3A_367 = arith.constant 0 : i32
      %lt3A_368 = vector.broadcast %lt3A_367 : i32 to vector<16xi32>
      %lt3A_369 = arith.cmpi slt, %xor3A_366, %lt3A_368 : vector<16xi32>
      %add3A_370 = arith.constant 16 : i32
      %add3A_371 = vector.broadcast %add3A_370 : i32 to vector<16xi32>
      %add3A_372 = arith.addi %xor3A_366, %add3A_371 : vector<16xi32>
      %select_n3A_373 = arith.select %lt3A_369, %add3A_372, %xor3A_366 : vector<16xi1>, vector<16xi32>
      %broadcast_in_dim3A_374 = vector.shape_cast %select_n3A_373 : vector<16xi32> to vector<16x1xi32>
      %gather3A_375 = vector.shape_cast %broadcast_in_dim3A_374 : vector<16x1xi32> to vector<16xi32>
      %gather3A_376 = tpu.dynamic_gather %max3A_363[%gather3A_375] in [0] : vector<16xf32>, vector<16xi32> -> vector<16xf32>
      %max3A_377 = arith.maximumf %max3A_363, %gather3A_376 : vector<16xf32>
      %xor3A_378 = arith.constant 1 : i32
      %xor3A_379 = vector.broadcast %xor3A_378 : i32 to vector<16xi32>
      %xor3A_380 = arith.xori %iota3A_335, %xor3A_379 : vector<16xi32>
      %lt3A_381 = arith.constant 0 : i32
      %lt3A_382 = vector.broadcast %lt3A_381 : i32 to vector<16xi32>
      %lt3A_383 = arith.cmpi slt, %xor3A_380, %lt3A_382 : vector<16xi32>
      %add3A_384 = arith.constant 16 : i32
      %add3A_385 = vector.broadcast %add3A_384 : i32 to vector<16xi32>
      %add3A_386 = arith.addi %xor3A_380, %add3A_385 : vector<16xi32>
      %select_n3A_387 = arith.select %lt3A_383, %add3A_386, %xor3A_380 : vector<16xi1>, vector<16xi32>
      %broadcast_in_dim3A_388 = vector.shape_cast %select_n3A_387 : vector<16xi32> to vector<16x1xi32>
      %gather3A_389 = vector.shape_cast %broadcast_in_dim3A_388 : vector<16x1xi32> to vector<16xi32>
      %gather3A_390 = tpu.dynamic_gather %max3A_377[%gather3A_389] in [0] : vector<16xf32>, vector<16xi32> -> vector<16xf32>
      %max3A_391 = arith.maximumf %max3A_377, %gather3A_390 : vector<16xf32>
      %sub3A_392 = arith.subf %add3A_328, %max3A_391 : vector<16xf32>
      %exp3A_393 = math.exp %sub3A_392 : vector<16xf32>
      %sub3A_394 = arith.subf %add3A_329, %max3A_391 : vector<16xf32>
      %exp3A_395 = math.exp %sub3A_394 : vector<16xf32>
      %add3A_396 = arith.addf %exp3A_393, %exp3A_395 : vector<16xf32>
      %sub3A_397 = arith.subf %add3A_330, %max3A_391 : vector<16xf32>
      %exp3A_398 = math.exp %sub3A_397 : vector<16xf32>
      %add3A_399 = arith.addf %add3A_396, %exp3A_398 : vector<16xf32>
      %sub3A_400 = arith.subf %add3A_331, %max3A_391 : vector<16xf32>
      %exp3A_401 = math.exp %sub3A_400 : vector<16xf32>
      %add3A_402 = arith.addf %add3A_399, %exp3A_401 : vector<16xf32>
      %iota3A_403 = tpu.iota {dimensions = array<i32: 0>} : vector<16xi32>
      %xor3A_404 = arith.constant 8 : i32
      %xor3A_405 = vector.broadcast %xor3A_404 : i32 to vector<16xi32>
      %xor3A_406 = arith.xori %iota3A_403, %xor3A_405 : vector<16xi32>
      %lt3A_407 = arith.constant 0 : i32
      %lt3A_408 = vector.broadcast %lt3A_407 : i32 to vector<16xi32>
      %lt3A_409 = arith.cmpi slt, %xor3A_406, %lt3A_408 : vector<16xi32>
      %add3A_410 = arith.constant 16 : i32
      %add3A_411 = vector.broadcast %add3A_410 : i32 to vector<16xi32>
      %add3A_412 = arith.addi %xor3A_406, %add3A_411 : vector<16xi32>
      %select_n3A_413 = arith.select %lt3A_409, %add3A_412, %xor3A_406 : vector<16xi1>, vector<16xi32>
      %broadcast_in_dim3A_414 = vector.shape_cast %select_n3A_413 : vector<16xi32> to vector<16x1xi32>
      %gather3A_415 = vector.shape_cast %broadcast_in_dim3A_414 : vector<16x1xi32> to vector<16xi32>
      %gather3A_416 = tpu.dynamic_gather %add3A_402[%gather3A_415] in [0] : vector<16xf32>, vector<16xi32> -> vector<16xf32>
      %add3A_417 = arith.addf %add3A_402, %gather3A_416 : vector<16xf32>
      %xor3A_418 = arith.constant 4 : i32
      %xor3A_419 = vector.broadcast %xor3A_418 : i32 to vector<16xi32>
      %xor3A_420 = arith.xori %iota3A_403, %xor3A_419 : vector<16xi32>
      %lt3A_421 = arith.constant 0 : i32
      %lt3A_422 = vector.broadcast %lt3A_421 : i32 to vector<16xi32>
      %lt3A_423 = arith.cmpi slt, %xor3A_420, %lt3A_422 : vector<16xi32>
      %add3A_424 = arith.constant 16 : i32
      %add3A_425 = vector.broadcast %add3A_424 : i32 to vector<16xi32>
      %add3A_426 = arith.addi %xor3A_420, %add3A_425 : vector<16xi32>
      %select_n3A_427 = arith.select %lt3A_423, %add3A_426, %xor3A_420 : vector<16xi1>, vector<16xi32>
      %broadcast_in_dim3A_428 = vector.shape_cast %select_n3A_427 : vector<16xi32> to vector<16x1xi32>
      %gather3A_429 = vector.shape_cast %broadcast_in_dim3A_428 : vector<16x1xi32> to vector<16xi32>
      %gather3A_430 = tpu.dynamic_gather %add3A_417[%gather3A_429] in [0] : vector<16xf32>, vector<16xi32> -> vector<16xf32>
      %add3A_431 = arith.addf %add3A_417, %gather3A_430 : vector<16xf32>
      %xor3A_432 = arith.constant 2 : i32
      %xor3A_433 = vector.broadcast %xor3A_432 : i32 to vector<16xi32>
      %xor3A_434 = arith.xori %iota3A_403, %xor3A_433 : vector<16xi32>
      %lt3A_435 = arith.constant 0 : i32
      %lt3A_436 = vector.broadcast %lt3A_435 : i32 to vector<16xi32>
      %lt3A_437 = arith.cmpi slt, %xor3A_434, %lt3A_436 : vector<16xi32>
      %add3A_438 = arith.constant 16 : i32
      %add3A_439 = vector.broadcast %add3A_438 : i32 to vector<16xi32>
      %add3A_440 = arith.addi %xor3A_434, %add3A_439 : vector<16xi32>
      %select_n3A_441 = arith.select %lt3A_437, %add3A_440, %xor3A_434 : vector<16xi1>, vector<16xi32>
      %broadcast_in_dim3A_442 = vector.shape_cast %select_n3A_441 : vector<16xi32> to vector<16x1xi32>
      %gather3A_443 = vector.shape_cast %broadcast_in_dim3A_442 : vector<16x1xi32> to vector<16xi32>
      %gather3A_444 = tpu.dynamic_gather %add3A_431[%gather3A_443] in [0] : vector<16xf32>, vector<16xi32> -> vector<16xf32>
      %add3A_445 = arith.addf %add3A_431, %gather3A_444 : vector<16xf32>
      %xor3A_446 = arith.constant 1 : i32
      %xor3A_447 = vector.broadcast %xor3A_446 : i32 to vector<16xi32>
      %xor3A_448 = arith.xori %iota3A_403, %xor3A_447 : vector<16xi32>
      %lt3A_449 = arith.constant 0 : i32
      %lt3A_450 = vector.broadcast %lt3A_449 : i32 to vector<16xi32>
      %lt3A_451 = arith.cmpi slt, %xor3A_448, %lt3A_450 : vector<16xi32>
      %add3A_452 = arith.constant 16 : i32
      %add3A_453 = vector.broadcast %add3A_452 : i32 to vector<16xi32>
      %add3A_454 = arith.addi %xor3A_448, %add3A_453 : vector<16xi32>
      %select_n3A_455 = arith.select %lt3A_451, %add3A_454, %xor3A_448 : vector<16xi1>, vector<16xi32>
      %broadcast_in_dim3A_456 = vector.shape_cast %select_n3A_455 : vector<16xi32> to vector<16x1xi32>
      %gather3A_457 = vector.shape_cast %broadcast_in_dim3A_456 : vector<16x1xi32> to vector<16xi32>
      %gather3A_458 = tpu.dynamic_gather %add3A_445[%gather3A_457] in [0] : vector<16xf32>, vector<16xi32> -> vector<16xf32>
      %add3A_459 = arith.addf %add3A_445, %gather3A_458 : vector<16xf32>
      %bitcast_convert_type3A_460 = tpu.bitcast %add3A_459 : vector<16xf32> -> vector<16xi32>
      %shift_right_arithmetic3A_461 = arith.constant 23 : i32
      %shift_right_arithmetic3A_462 = vector.broadcast %shift_right_arithmetic3A_461 : i32 to vector<16xi32>
      %shift_right_arithmetic3A_463 = arith.shrsi %bitcast_convert_type3A_460, %shift_right_arithmetic3A_462 : vector<16xi32>
      %and3A_464 = arith.constant 255 : i32
      %and3A_465 = vector.broadcast %and3A_464 : i32 to vector<16xi32>
      %and3A_466 = arith.andi %shift_right_arithmetic3A_463, %and3A_465 : vector<16xi32>
      %sub3A_467 = arith.constant 127 : i32
      %sub3A_468 = vector.broadcast %sub3A_467 : i32 to vector<16xi32>
      %sub3A_469 = arith.subi %and3A_466, %sub3A_468 : vector<16xi32>
      %and3A_470 = arith.constant 8388607 : i32
      %and3A_471 = vector.broadcast %and3A_470 : i32 to vector<16xi32>
      %and3A_472 = arith.andi %bitcast_convert_type3A_460, %and3A_471 : vector<16xi32>
      %or3A_473 = arith.constant 1065353216 : i32
      %or3A_474 = vector.broadcast %or3A_473 : i32 to vector<16xi32>
      %or3A_475 = arith.ori %and3A_472, %or3A_474 : vector<16xi32>
      %bitcast_convert_type3A_476 = tpu.bitcast %or3A_475 : vector<16xi32> -> vector<16xf32>
      %sub3A_477 = arith.constant 1.000000e+00 : f32
      %sub3A_478 = vector.broadcast %sub3A_477 : f32 to vector<16xf32>
      %sub3A_479 = arith.subf %bitcast_convert_type3A_476, %sub3A_478 : vector<16xf32>
      %add3A_480 = arith.constant 1.000000e+00 : f32
      %add3A_481 = vector.broadcast %add3A_480 : f32 to vector<16xf32>
      %add3A_482 = arith.addf %bitcast_convert_type3A_476, %add3A_481 : vector<16xf32>
      %div3A_483 = arith.divf %sub3A_479, %add3A_482 : vector<16xf32>
      %mul3A_484 = arith.mulf %div3A_483, %div3A_483 : vector<16xf32>
      %mul3A_485 = arith.constant 0.285714298 : f32
      %mul3A_486 = vector.broadcast %mul3A_485 : f32 to vector<16xf32>
      %mul3A_487 = arith.mulf %mul3A_484, %mul3A_486 : vector<16xf32>
      %add3A_488 = arith.constant 4.000000e-01 : f32
      %add3A_489 = vector.broadcast %add3A_488 : f32 to vector<16xf32>
      %add3A_490 = arith.addf %add3A_489, %mul3A_487 : vector<16xf32>
      %mul3A_491 = arith.mulf %mul3A_484, %add3A_490 : vector<16xf32>
      %add3A_492 = arith.constant 0.666666686 : f32
      %add3A_493 = vector.broadcast %add3A_492 : f32 to vector<16xf32>
      %add3A_494 = arith.addf %add3A_493, %mul3A_491 : vector<16xf32>
      %mul3A_495 = arith.mulf %mul3A_484, %add3A_494 : vector<16xf32>
      %add3A_496 = arith.constant 2.000000e+00 : f32
      %add3A_497 = vector.broadcast %add3A_496 : f32 to vector<16xf32>
      %add3A_498 = arith.addf %add3A_497, %mul3A_495 : vector<16xf32>
      %mul3A_499 = arith.mulf %div3A_483, %add3A_498 : vector<16xf32>
      %convert_element_type3A_500 = arith.sitofp %sub3A_469 : vector<16xi32> to vector<16xf32>
      %mul3A_501 = arith.constant 0.693147182 : f32
      %mul3A_502 = vector.broadcast %mul3A_501 : f32 to vector<16xf32>
      %mul3A_503 = arith.mulf %convert_element_type3A_500, %mul3A_502 : vector<16xf32>
      %add3A_504 = arith.addf %mul3A_503, %mul3A_499 : vector<16xf32>
      %add3A_505 = arith.addf %add3A_504, %max3A_391 : vector<16xf32>
      %jit3A_506 = arith.constant 16 : i32
      %eq3A_507 = arith.constant 0 : i32
      %eq3A_508 = arith.cmpi eq, %jit3A_506, %eq3A_507 : i32
      %jit3A_509 = arith.constant 1 : i32
      %select_n3A_510 = arith.select %eq3A_508, %jit3A_509, %jit3A_506 : i32
      %rem3A_511 = arith.remsi %add3A_327, %select_n3A_510 : i32
      %ne3A_512 = arith.constant 0 : i32
      %ne3A_513 = arith.cmpi ne, %rem3A_511, %ne3A_512 : i32
      %lt3A_514 = arith.constant 0 : i32
      %lt3A_515 = arith.cmpi slt, %rem3A_511, %lt3A_514 : i32
      %lt3A_516 = arith.constant 0 : i32
      %lt3A_517 = arith.cmpi slt, %select_n3A_510, %lt3A_516 : i32
      %ne3A_518 = arith.xori %lt3A_515, %lt3A_517 : i1
      %and3A_519 = arith.andi %ne3A_518, %ne3A_513 : i1
      %add3A_520 = arith.addi %rem3A_511, %select_n3A_510 : i32
      %select_n3A_521 = arith.select %and3A_519, %add3A_520, %rem3A_511 : i32
      %iota3A_522 = tpu.iota {dimensions = array<i32: 0>} : vector<16xi32>
      %eq3A_523 = vector.broadcast %select_n3A_521 : i32 to vector<16xi32>
      %eq3A_524 = arith.cmpi eq, %iota3A_522, %eq3A_523 : vector<16xi32>
      %select_n3A_525 = arith.select %eq3A_524, %add3A_505, %select_n3A_312 : vector<16xi1>, vector<16xf32>
      %eq3A_526 = arith.constant 15 : i32
      %eq3A_527 = arith.cmpi eq, %select_n3A_521, %eq3A_526 : i32
      %convert_element_type3A_528 = arith.extui %eq3A_527 : i1 to i32
      %cond3A_529 = arith.constant 0 : i32
      %cond3A_530 = arith.cmpi ne, %convert_element_type3A_528, %cond3A_529 : i32
      scf.if %cond3A_530 {
        %sub3A_984 = arith.constant 15 : i32
        %sub3A_985 = arith.subi %add3A_327, %sub3A_984 : i32
        %swap3A = arith.index_cast %sub3A_985 : i32 to index
        %swap3A_986 = tpu.vector_load %arg12[%swap3A] {strides = array<i32>} : memref<128xf32, #tpu.memory_space<vmem>>, vector<16xf32>,
        %swap3A_987 = vector.shape_cast %swap3A_986 : vector<16xf32> to vector<16xf32>
        %swap3A_988 = vector.shape_cast %select_n3A_525 : vector<16xf32> to vector<16xf32>
        tpu.vector_store %arg12[%swap3A], %swap3A_988 {strides = array<i32>} : memref<128xf32, #tpu.memory_space<vmem>>, vector<16xf32>,
      } else {
      }
      %add3A_531 = arith.constant 4 : i32
      %add3A_532 = arith.addi %add3A_327, %add3A_531 : i32
      %lt3A_533 = arith.constant 128 : i32
      %lt3A_534 = arith.cmpi slt, %add3A_532, %lt3A_533 : i32
      %convert_element_type3A_535 = arith.extui %lt3A_534 : i1 to i32
      %cond3A_536 = arith.constant 0 : i32
      %cond3A_537 = arith.cmpi ne, %convert_element_type3A_535, %cond3A_536 : i32
      scf.if %cond3A_537 {
        %add3A_984 = arith.constant 4 : i32
        %add3A_985 = arith.addi %add3A_327, %add3A_984 : i32
        %dma_start3A_986 = arith.constant 0 : i32
        %dma_start3A_987 = tpu.memref_slice %arg6[%add3A_985, %dma_start3A_986] : memref<128x128xi32, #tpu.memory_space<vmem>> -> memref<1x128xi32, #tpu.memory_space<vmem>>
        %dma_start3A_988 = tpu.memref_squeeze %dma_start3A_987 : memref<1x128xi32, #tpu.memory_space<vmem>> -> memref<128xi32, #tpu.memory_space<vmem>>
        %dma_start3A_989 = arith.constant 0 : i32
        %dma_start3A_990 = arith.constant 0 : i32
        %dma_start3A_991 = tpu.memref_slice %arg4[%dma_start3A_989, %dma_start3A_990] : memref<128000x32xi32, #tpu.memory_space<hbm>> -> memref<128000x32xi32, #tpu.memory_space<hbm>>
        tpu.enqueue_indirect_dma source(%dma_start3A_991 : memref<128000x32xi32, #tpu.memory_space<hbm>>) target(%arg8 : memref<128x32xi32, #tpu.memory_space<vmem>>) offsets(%dma_start3A_988 : memref<128xi32, #tpu.memory_space<vmem>>) semaphore(%arg14 : memref<!tpu.dma_semaphore, #tpu.memory_space<semaphore_mem>>)
      } else {
      }
      %dma_wait3A_538 = arith.constant 0 : i32
      %dma_wait3A_539 = arith.constant 0 : i32
      %dma_wait3A_540 = tpu.memref_slice %arg4[%dma_wait3A_538, %dma_wait3A_539] : memref<128000x32xi32, #tpu.memory_space<hbm>> -> memref<128x32xi32, #tpu.memory_space<hbm>>
      %dma_wait3A_541 = arith.constant 0 : i32
      %dma_wait3A_542 = arith.constant 0 : i32
      %dma_wait3A_543 = tpu.memref_slice %arg4[%dma_wait3A_541, %dma_wait3A_542] : memref<128000x32xi32, #tpu.memory_space<hbm>> -> memref<128x32xi32, #tpu.memory_space<hbm>>
      tpu.wait_dma2 semaphore(%arg15 : memref<!tpu.dma_semaphore, #tpu.memory_space<semaphore_mem>>) src(%dma_wait3A_543 : memref<128x32xi32, #tpu.memory_space<hbm>>) dst(%arg9 : memref<128x32xi32, #tpu.memory_space<vmem>>)
      %dma_wait3A_544 = arith.constant 0 : i32
      %dma_wait3A_545 = arith.constant 0 : i32
      %dma_wait3A_546 = tpu.memref_slice %arg4[%dma_wait3A_544, %dma_wait3A_545] : memref<128000x32xi32, #tpu.memory_space<hbm>> -> memref<128x32xi32, #tpu.memory_space<hbm>>
      %dma_wait3A_547 = arith.constant 0 : i32
      %dma_wait3A_548 = arith.constant 0 : i32
      %dma_wait3A_549 = tpu.memref_slice %arg4[%dma_wait3A_547, %dma_wait3A_548] : memref<128000x32xi32, #tpu.memory_space<hbm>> -> memref<128x32xi32, #tpu.memory_space<hbm>>
      tpu.wait_dma2 semaphore(%arg16 : memref<!tpu.dma_semaphore, #tpu.memory_space<semaphore_mem>>) src(%dma_wait3A_549 : memref<128x32xi32, #tpu.memory_space<hbm>>) dst(%arg10 : memref<128x32xi32, #tpu.memory_space<vmem>>)
      %broadcast_in_dim3A_550 = arith.constant 0.000000e+00 : f32
      %broadcast_in_dim3A_551 = vector.broadcast %broadcast_in_dim3A_550 : f32 to vector<16xf32>
      %parallel_loop3A_552 = arith.constant 0 : i32
      %parallel_loop3A_553 = arith.constant 32 : i32
      %parallel_loop3A_554 = arith.constant 1 : i32
      %parallel_loop3A_555:8 = scf.for %parallel_loop3A_984 = %parallel_loop3A_552 to %parallel_loop3A_553 step %parallel_loop3A_554 iter_args(%parallel_loop3A_985 = %broadcast_in_dim3A_551, %parallel_loop3A_986 = %broadcast_in_dim3A_551, %parallel_loop3A_987 = %broadcast_in_dim3A_551, %parallel_loop3A_988 = %broadcast_in_dim3A_551, %parallel_loop3A_989 = %broadcast_in_dim3A_551, %parallel_loop3A_990 = %broadcast_in_dim3A_551, %parallel_loop3A_991 = %broadcast_in_dim3A_551, %parallel_loop3A_992 = %broadcast_in_dim3A_551) -> (vector<16xf32>, vector<16xf32>, vector<16xf32>, vector<16xf32>, vector<16xf32>, vector<16xf32>, vector<16xf32>, vector<16xf32>)  : i32 {
        %parallel_loop3A_993 = arith.constant 4 : i32
        %parallel_loop3A_994 = arith.muli %parallel_loop3A_984, %parallel_loop3A_993 : i32
        %parallel_loop3A_995 = arith.constant 0 : i32
        %parallel_loop3A_996 = arith.addi %parallel_loop3A_994, %parallel_loop3A_995 : i32
        %parallel_loop3A_997 = arith.index_cast %parallel_loop3A_996 : i32 to index
        %parallel_loop3A_998 = arith.constant 0 : index
        %parallel_loop3A_999 = tpu.vector_load %arg9[%parallel_loop3A_997, %parallel_loop3A_998] {strides = array<i32>} : memref<128x32xi32, #tpu.memory_space<vmem>>, vector<1x16xi32>,
        %parallel_loop3A_1000 = vector.shape_cast %parallel_loop3A_999 : vector<1x16xi32> to vector<16xi32>
        %parallel_loop3A_1001 = arith.constant 16 : i32
        %parallel_loop3A_1002 = vector.broadcast %parallel_loop3A_1001 : i32 to vector<16xi32>
        %parallel_loop3A_1003 = arith.shli %parallel_loop3A_1000, %parallel_loop3A_1002 : vector<16xi32>
        %parallel_loop3A_1004 = tpu.bitcast %parallel_loop3A_1003 : vector<16xi32> -> vector<16xf32>
        %parallel_loop3A_1005 = arith.constant -65536 : i32
        %parallel_loop3A_1006 = vector.broadcast %parallel_loop3A_1005 : i32 to vector<16xi32>
        %parallel_loop3A_1007 = arith.andi %parallel_loop3A_1000, %parallel_loop3A_1006 : vector<16xi32>
        %parallel_loop3A_1008 = tpu.bitcast %parallel_loop3A_1007 : vector<16xi32> -> vector<16xf32>
        %parallel_loop3A_1009 = arith.index_cast %parallel_loop3A_996 : i32 to index
        %parallel_loop3A_1010 = arith.constant 0 : index
        %parallel_loop3A_1011 = tpu.vector_load %arg10[%parallel_loop3A_1009, %parallel_loop3A_1010] {strides = array<i32>} : memref<128x32xi32, #tpu.memory_space<vmem>>, vector<1x16xi32>,
        %parallel_loop3A_1012 = vector.shape_cast %parallel_loop3A_1011 : vector<1x16xi32> to vector<16xi32>
        %parallel_loop3A_1013 = arith.constant 16 : i32
        %parallel_loop3A_1014 = vector.broadcast %parallel_loop3A_1013 : i32 to vector<16xi32>
        %parallel_loop3A_1015 = arith.shli %parallel_loop3A_1012, %parallel_loop3A_1014 : vector<16xi32>
        %parallel_loop3A_1016 = tpu.bitcast %parallel_loop3A_1015 : vector<16xi32> -> vector<16xf32>
        %parallel_loop3A_1017 = arith.constant -65536 : i32
        %parallel_loop3A_1018 = vector.broadcast %parallel_loop3A_1017 : i32 to vector<16xi32>
        %parallel_loop3A_1019 = arith.andi %parallel_loop3A_1012, %parallel_loop3A_1018 : vector<16xi32>
        %parallel_loop3A_1020 = tpu.bitcast %parallel_loop3A_1019 : vector<16xi32> -> vector<16xf32>
        %parallel_loop3A_1021 = arith.addf %parallel_loop3A_985, %parallel_loop3A_1004 : vector<16xf32>
        %parallel_loop3A_1022 = arith.addf %parallel_loop3A_986, %parallel_loop3A_1008 : vector<16xf32>
        %parallel_loop3A_1023 = arith.addf %parallel_loop3A_989, %parallel_loop3A_1016 : vector<16xf32>
        %parallel_loop3A_1024 = arith.addf %parallel_loop3A_990, %parallel_loop3A_1020 : vector<16xf32>
        %parallel_loop3A_1025 = arith.index_cast %parallel_loop3A_996 : i32 to index
        %parallel_loop3A_1026 = arith.constant 16 : index
        %parallel_loop3A_1027 = tpu.vector_load %arg9[%parallel_loop3A_1025, %parallel_loop3A_1026] {strides = array<i32>} : memref<128x32xi32, #tpu.memory_space<vmem>>, vector<1x16xi32>,
        %parallel_loop3A_1028 = vector.shape_cast %parallel_loop3A_1027 : vector<1x16xi32> to vector<16xi32>
        %parallel_loop3A_1029 = arith.constant 16 : i32
        %parallel_loop3A_1030 = vector.broadcast %parallel_loop3A_1029 : i32 to vector<16xi32>
        %parallel_loop3A_1031 = arith.shli %parallel_loop3A_1028, %parallel_loop3A_1030 : vector<16xi32>
        %parallel_loop3A_1032 = tpu.bitcast %parallel_loop3A_1031 : vector<16xi32> -> vector<16xf32>
        %parallel_loop3A_1033 = arith.constant -65536 : i32
        %parallel_loop3A_1034 = vector.broadcast %parallel_loop3A_1033 : i32 to vector<16xi32>
        %parallel_loop3A_1035 = arith.andi %parallel_loop3A_1028, %parallel_loop3A_1034 : vector<16xi32>
        %parallel_loop3A_1036 = tpu.bitcast %parallel_loop3A_1035 : vector<16xi32> -> vector<16xf32>
        %parallel_loop3A_1037 = arith.index_cast %parallel_loop3A_996 : i32 to index
        %parallel_loop3A_1038 = arith.constant 16 : index
        %parallel_loop3A_1039 = tpu.vector_load %arg10[%parallel_loop3A_1037, %parallel_loop3A_1038] {strides = array<i32>} : memref<128x32xi32, #tpu.memory_space<vmem>>, vector<1x16xi32>,
        %parallel_loop3A_1040 = vector.shape_cast %parallel_loop3A_1039 : vector<1x16xi32> to vector<16xi32>
        %parallel_loop3A_1041 = arith.constant 16 : i32
        %parallel_loop3A_1042 = vector.broadcast %parallel_loop3A_1041 : i32 to vector<16xi32>
        %parallel_loop3A_1043 = arith.shli %parallel_loop3A_1040, %parallel_loop3A_1042 : vector<16xi32>
        %parallel_loop3A_1044 = tpu.bitcast %parallel_loop3A_1043 : vector<16xi32> -> vector<16xf32>
        %parallel_loop3A_1045 = arith.constant -65536 : i32
        %parallel_loop3A_1046 = vector.broadcast %parallel_loop3A_1045 : i32 to vector<16xi32>
        %parallel_loop3A_1047 = arith.andi %parallel_loop3A_1040, %parallel_loop3A_1046 : vector<16xi32>
        %parallel_loop3A_1048 = tpu.bitcast %parallel_loop3A_1047 : vector<16xi32> -> vector<16xf32>
        %parallel_loop3A_1049 = arith.addf %parallel_loop3A_987, %parallel_loop3A_1032 : vector<16xf32>
        %parallel_loop3A_1050 = arith.addf %parallel_loop3A_988, %parallel_loop3A_1036 : vector<16xf32>
        %parallel_loop3A_1051 = arith.addf %parallel_loop3A_991, %parallel_loop3A_1044 : vector<16xf32>
        %parallel_loop3A_1052 = arith.addf %parallel_loop3A_992, %parallel_loop3A_1048 : vector<16xf32>
        %parallel_loop3A_1053 = arith.constant 4 : i32
        %parallel_loop3A_1054 = arith.muli %parallel_loop3A_984, %parallel_loop3A_1053 : i32
        %parallel_loop3A_1055 = arith.constant 1 : i32
        %parallel_loop3A_1056 = arith.addi %parallel_loop3A_1054, %parallel_loop3A_1055 : i32
        %parallel_loop3A_1057 = arith.index_cast %parallel_loop3A_1056 : i32 to index
        %parallel_loop3A_1058 = arith.constant 0 : index
        %parallel_loop3A_1059 = tpu.vector_load %arg9[%parallel_loop3A_1057, %parallel_loop3A_1058] {strides = array<i32>} : memref<128x32xi32, #tpu.memory_space<vmem>>, vector<1x16xi32>,
        %parallel_loop3A_1060 = vector.shape_cast %parallel_loop3A_1059 : vector<1x16xi32> to vector<16xi32>
        %parallel_loop3A_1061 = arith.constant 16 : i32
        %parallel_loop3A_1062 = vector.broadcast %parallel_loop3A_1061 : i32 to vector<16xi32>
        %parallel_loop3A_1063 = arith.shli %parallel_loop3A_1060, %parallel_loop3A_1062 : vector<16xi32>
        %parallel_loop3A_1064 = tpu.bitcast %parallel_loop3A_1063 : vector<16xi32> -> vector<16xf32>
        %parallel_loop3A_1065 = arith.constant -65536 : i32
        %parallel_loop3A_1066 = vector.broadcast %parallel_loop3A_1065 : i32 to vector<16xi32>
        %parallel_loop3A_1067 = arith.andi %parallel_loop3A_1060, %parallel_loop3A_1066 : vector<16xi32>
        %parallel_loop3A_1068 = tpu.bitcast %parallel_loop3A_1067 : vector<16xi32> -> vector<16xf32>
        %parallel_loop3A_1069 = arith.index_cast %parallel_loop3A_1056 : i32 to index
        %parallel_loop3A_1070 = arith.constant 0 : index
        %parallel_loop3A_1071 = tpu.vector_load %arg10[%parallel_loop3A_1069, %parallel_loop3A_1070] {strides = array<i32>} : memref<128x32xi32, #tpu.memory_space<vmem>>, vector<1x16xi32>,
        %parallel_loop3A_1072 = vector.shape_cast %parallel_loop3A_1071 : vector<1x16xi32> to vector<16xi32>
        %parallel_loop3A_1073 = arith.constant 16 : i32
        %parallel_loop3A_1074 = vector.broadcast %parallel_loop3A_1073 : i32 to vector<16xi32>
        %parallel_loop3A_1075 = arith.shli %parallel_loop3A_1072, %parallel_loop3A_1074 : vector<16xi32>
        %parallel_loop3A_1076 = tpu.bitcast %parallel_loop3A_1075 : vector<16xi32> -> vector<16xf32>
        %parallel_loop3A_1077 = arith.constant -65536 : i32
        %parallel_loop3A_1078 = vector.broadcast %parallel_loop3A_1077 : i32 to vector<16xi32>
        %parallel_loop3A_1079 = arith.andi %parallel_loop3A_1072, %parallel_loop3A_1078 : vector<16xi32>
        %parallel_loop3A_1080 = tpu.bitcast %parallel_loop3A_1079 : vector<16xi32> -> vector<16xf32>
        %parallel_loop3A_1081 = arith.addf %parallel_loop3A_1021, %parallel_loop3A_1064 : vector<16xf32>
        %parallel_loop3A_1082 = arith.addf %parallel_loop3A_1022, %parallel_loop3A_1068 : vector<16xf32>
        %parallel_loop3A_1083 = arith.addf %parallel_loop3A_1023, %parallel_loop3A_1076 : vector<16xf32>
        %parallel_loop3A_1084 = arith.addf %parallel_loop3A_1024, %parallel_loop3A_1080 : vector<16xf32>
        %parallel_loop3A_1085 = arith.index_cast %parallel_loop3A_1056 : i32 to index
        %parallel_loop3A_1086 = arith.constant 16 : index
        %parallel_loop3A_1087 = tpu.vector_load %arg9[%parallel_loop3A_1085, %parallel_loop3A_1086] {strides = array<i32>} : memref<128x32xi32, #tpu.memory_space<vmem>>, vector<1x16xi32>,
        %parallel_loop3A_1088 = vector.shape_cast %parallel_loop3A_1087 : vector<1x16xi32> to vector<16xi32>
        %parallel_loop3A_1089 = arith.constant 16 : i32
        %parallel_loop3A_1090 = vector.broadcast %parallel_loop3A_1089 : i32 to vector<16xi32>
        %parallel_loop3A_1091 = arith.shli %parallel_loop3A_1088, %parallel_loop3A_1090 : vector<16xi32>
        %parallel_loop3A_1092 = tpu.bitcast %parallel_loop3A_1091 : vector<16xi32> -> vector<16xf32>
        %parallel_loop3A_1093 = arith.constant -65536 : i32
        %parallel_loop3A_1094 = vector.broadcast %parallel_loop3A_1093 : i32 to vector<16xi32>
        %parallel_loop3A_1095 = arith.andi %parallel_loop3A_1088, %parallel_loop3A_1094 : vector<16xi32>
        %parallel_loop3A_1096 = tpu.bitcast %parallel_loop3A_1095 : vector<16xi32> -> vector<16xf32>
        %parallel_loop3A_1097 = arith.index_cast %parallel_loop3A_1056 : i32 to index
        %parallel_loop3A_1098 = arith.constant 16 : index
        %parallel_loop3A_1099 = tpu.vector_load %arg10[%parallel_loop3A_1097, %parallel_loop3A_1098] {strides = array<i32>} : memref<128x32xi32, #tpu.memory_space<vmem>>, vector<1x16xi32>,
        %parallel_loop3A_1100 = vector.shape_cast %parallel_loop3A_1099 : vector<1x16xi32> to vector<16xi32>
        %parallel_loop3A_1101 = arith.constant 16 : i32
        %parallel_loop3A_1102 = vector.broadcast %parallel_loop3A_1101 : i32 to vector<16xi32>
        %parallel_loop3A_1103 = arith.shli %parallel_loop3A_1100, %parallel_loop3A_1102 : vector<16xi32>
        %parallel_loop3A_1104 = tpu.bitcast %parallel_loop3A_1103 : vector<16xi32> -> vector<16xf32>
        %parallel_loop3A_1105 = arith.constant -65536 : i32
        %parallel_loop3A_1106 = vector.broadcast %parallel_loop3A_1105 : i32 to vector<16xi32>
        %parallel_loop3A_1107 = arith.andi %parallel_loop3A_1100, %parallel_loop3A_1106 : vector<16xi32>
        %parallel_loop3A_1108 = tpu.bitcast %parallel_loop3A_1107 : vector<16xi32> -> vector<16xf32>
        %parallel_loop3A_1109 = arith.addf %parallel_loop3A_1049, %parallel_loop3A_1092 : vector<16xf32>
        %parallel_loop3A_1110 = arith.addf %parallel_loop3A_1050, %parallel_loop3A_1096 : vector<16xf32>
        %parallel_loop3A_1111 = arith.addf %parallel_loop3A_1051, %parallel_loop3A_1104 : vector<16xf32>
        %parallel_loop3A_1112 = arith.addf %parallel_loop3A_1052, %parallel_loop3A_1108 : vector<16xf32>
        %parallel_loop3A_1113 = arith.constant 4 : i32
        %parallel_loop3A_1114 = arith.muli %parallel_loop3A_984, %parallel_loop3A_1113 : i32
        %parallel_loop3A_1115 = arith.constant 2 : i32
        %parallel_loop3A_1116 = arith.addi %parallel_loop3A_1114, %parallel_loop3A_1115 : i32
        %parallel_loop3A_1117 = arith.index_cast %parallel_loop3A_1116 : i32 to index
        %parallel_loop3A_1118 = arith.constant 0 : index
        %parallel_loop3A_1119 = tpu.vector_load %arg9[%parallel_loop3A_1117, %parallel_loop3A_1118] {strides = array<i32>} : memref<128x32xi32, #tpu.memory_space<vmem>>, vector<1x16xi32>,
        %parallel_loop3A_1120 = vector.shape_cast %parallel_loop3A_1119 : vector<1x16xi32> to vector<16xi32>
        %parallel_loop3A_1121 = arith.constant 16 : i32
        %parallel_loop3A_1122 = vector.broadcast %parallel_loop3A_1121 : i32 to vector<16xi32>
        %parallel_loop3A_1123 = arith.shli %parallel_loop3A_1120, %parallel_loop3A_1122 : vector<16xi32>
        %parallel_loop3A_1124 = tpu.bitcast %parallel_loop3A_1123 : vector<16xi32> -> vector<16xf32>
        %parallel_loop3A_1125 = arith.constant -65536 : i32
        %parallel_loop3A_1126 = vector.broadcast %parallel_loop3A_1125 : i32 to vector<16xi32>
        %parallel_loop3A_1127 = arith.andi %parallel_loop3A_1120, %parallel_loop3A_1126 : vector<16xi32>
        %parallel_loop3A_1128 = tpu.bitcast %parallel_loop3A_1127 : vector<16xi32> -> vector<16xf32>
        %parallel_loop3A_1129 = arith.index_cast %parallel_loop3A_1116 : i32 to index
        %parallel_loop3A_1130 = arith.constant 0 : index
        %parallel_loop3A_1131 = tpu.vector_load %arg10[%parallel_loop3A_1129, %parallel_loop3A_1130] {strides = array<i32>} : memref<128x32xi32, #tpu.memory_space<vmem>>, vector<1x16xi32>,
        %parallel_loop3A_1132 = vector.shape_cast %parallel_loop3A_1131 : vector<1x16xi32> to vector<16xi32>
        %parallel_loop3A_1133 = arith.constant 16 : i32
        %parallel_loop3A_1134 = vector.broadcast %parallel_loop3A_1133 : i32 to vector<16xi32>
        %parallel_loop3A_1135 = arith.shli %parallel_loop3A_1132, %parallel_loop3A_1134 : vector<16xi32>
        %parallel_loop3A_1136 = tpu.bitcast %parallel_loop3A_1135 : vector<16xi32> -> vector<16xf32>
        %parallel_loop3A_1137 = arith.constant -65536 : i32
        %parallel_loop3A_1138 = vector.broadcast %parallel_loop3A_1137 : i32 to vector<16xi32>
        %parallel_loop3A_1139 = arith.andi %parallel_loop3A_1132, %parallel_loop3A_1138 : vector<16xi32>
        %parallel_loop3A_1140 = tpu.bitcast %parallel_loop3A_1139 : vector<16xi32> -> vector<16xf32>
        %parallel_loop3A_1141 = arith.addf %parallel_loop3A_1081, %parallel_loop3A_1124 : vector<16xf32>
        %parallel_loop3A_1142 = arith.addf %parallel_loop3A_1082, %parallel_loop3A_1128 : vector<16xf32>
        %parallel_loop3A_1143 = arith.addf %parallel_loop3A_1083, %parallel_loop3A_1136 : vector<16xf32>
        %parallel_loop3A_1144 = arith.addf %parallel_loop3A_1084, %parallel_loop3A_1140 : vector<16xf32>
        %parallel_loop3A_1145 = arith.index_cast %parallel_loop3A_1116 : i32 to index
        %parallel_loop3A_1146 = arith.constant 16 : index
        %parallel_loop3A_1147 = tpu.vector_load %arg9[%parallel_loop3A_1145, %parallel_loop3A_1146] {strides = array<i32>} : memref<128x32xi32, #tpu.memory_space<vmem>>, vector<1x16xi32>,
        %parallel_loop3A_1148 = vector.shape_cast %parallel_loop3A_1147 : vector<1x16xi32> to vector<16xi32>
        %parallel_loop3A_1149 = arith.constant 16 : i32
        %parallel_loop3A_1150 = vector.broadcast %parallel_loop3A_1149 : i32 to vector<16xi32>
        %parallel_loop3A_1151 = arith.shli %parallel_loop3A_1148, %parallel_loop3A_1150 : vector<16xi32>
        %parallel_loop3A_1152 = tpu.bitcast %parallel_loop3A_1151 : vector<16xi32> -> vector<16xf32>
        %parallel_loop3A_1153 = arith.constant -65536 : i32
        %parallel_loop3A_1154 = vector.broadcast %parallel_loop3A_1153 : i32 to vector<16xi32>
        %parallel_loop3A_1155 = arith.andi %parallel_loop3A_1148, %parallel_loop3A_1154 : vector<16xi32>
        %parallel_loop3A_1156 = tpu.bitcast %parallel_loop3A_1155 : vector<16xi32> -> vector<16xf32>
        %parallel_loop3A_1157 = arith.index_cast %parallel_loop3A_1116 : i32 to index
        %parallel_loop3A_1158 = arith.constant 16 : index
        %parallel_loop3A_1159 = tpu.vector_load %arg10[%parallel_loop3A_1157, %parallel_loop3A_1158] {strides = array<i32>} : memref<128x32xi32, #tpu.memory_space<vmem>>, vector<1x16xi32>,
        %parallel_loop3A_1160 = vector.shape_cast %parallel_loop3A_1159 : vector<1x16xi32> to vector<16xi32>
        %parallel_loop3A_1161 = arith.constant 16 : i32
        %parallel_loop3A_1162 = vector.broadcast %parallel_loop3A_1161 : i32 to vector<16xi32>
        %parallel_loop3A_1163 = arith.shli %parallel_loop3A_1160, %parallel_loop3A_1162 : vector<16xi32>
        %parallel_loop3A_1164 = tpu.bitcast %parallel_loop3A_1163 : vector<16xi32> -> vector<16xf32>
        %parallel_loop3A_1165 = arith.constant -65536 : i32
        %parallel_loop3A_1166 = vector.broadcast %parallel_loop3A_1165 : i32 to vector<16xi32>
        %parallel_loop3A_1167 = arith.andi %parallel_loop3A_1160, %parallel_loop3A_1166 : vector<16xi32>
        %parallel_loop3A_1168 = tpu.bitcast %parallel_loop3A_1167 : vector<16xi32> -> vector<16xf32>
        %parallel_loop3A_1169 = arith.addf %parallel_loop3A_1109, %parallel_loop3A_1152 : vector<16xf32>
        %parallel_loop3A_1170 = arith.addf %parallel_loop3A_1110, %parallel_loop3A_1156 : vector<16xf32>
        %parallel_loop3A_1171 = arith.addf %parallel_loop3A_1111, %parallel_loop3A_1164 : vector<16xf32>
        %parallel_loop3A_1172 = arith.addf %parallel_loop3A_1112, %parallel_loop3A_1168 : vector<16xf32>
        %parallel_loop3A_1173 = arith.constant 4 : i32
        %parallel_loop3A_1174 = arith.muli %parallel_loop3A_984, %parallel_loop3A_1173 : i32
        %parallel_loop3A_1175 = arith.constant 3 : i32
        %parallel_loop3A_1176 = arith.addi %parallel_loop3A_1174, %parallel_loop3A_1175 : i32
        %parallel_loop3A_1177 = arith.index_cast %parallel_loop3A_1176 : i32 to index
        %parallel_loop3A_1178 = arith.constant 0 : index
        %parallel_loop3A_1179 = tpu.vector_load %arg9[%parallel_loop3A_1177, %parallel_loop3A_1178] {strides = array<i32>} : memref<128x32xi32, #tpu.memory_space<vmem>>, vector<1x16xi32>,
        %parallel_loop3A_1180 = vector.shape_cast %parallel_loop3A_1179 : vector<1x16xi32> to vector<16xi32>
        %parallel_loop3A_1181 = arith.constant 16 : i32
        %parallel_loop3A_1182 = vector.broadcast %parallel_loop3A_1181 : i32 to vector<16xi32>
        %parallel_loop3A_1183 = arith.shli %parallel_loop3A_1180, %parallel_loop3A_1182 : vector<16xi32>
        %parallel_loop3A_1184 = tpu.bitcast %parallel_loop3A_1183 : vector<16xi32> -> vector<16xf32>
        %parallel_loop3A_1185 = arith.constant -65536 : i32
        %parallel_loop3A_1186 = vector.broadcast %parallel_loop3A_1185 : i32 to vector<16xi32>
        %parallel_loop3A_1187 = arith.andi %parallel_loop3A_1180, %parallel_loop3A_1186 : vector<16xi32>
        %parallel_loop3A_1188 = tpu.bitcast %parallel_loop3A_1187 : vector<16xi32> -> vector<16xf32>
        %parallel_loop3A_1189 = arith.index_cast %parallel_loop3A_1176 : i32 to index
        %parallel_loop3A_1190 = arith.constant 0 : index
        %parallel_loop3A_1191 = tpu.vector_load %arg10[%parallel_loop3A_1189, %parallel_loop3A_1190] {strides = array<i32>} : memref<128x32xi32, #tpu.memory_space<vmem>>, vector<1x16xi32>,
        %parallel_loop3A_1192 = vector.shape_cast %parallel_loop3A_1191 : vector<1x16xi32> to vector<16xi32>
        %parallel_loop3A_1193 = arith.constant 16 : i32
        %parallel_loop3A_1194 = vector.broadcast %parallel_loop3A_1193 : i32 to vector<16xi32>
        %parallel_loop3A_1195 = arith.shli %parallel_loop3A_1192, %parallel_loop3A_1194 : vector<16xi32>
        %parallel_loop3A_1196 = tpu.bitcast %parallel_loop3A_1195 : vector<16xi32> -> vector<16xf32>
        %parallel_loop3A_1197 = arith.constant -65536 : i32
        %parallel_loop3A_1198 = vector.broadcast %parallel_loop3A_1197 : i32 to vector<16xi32>
        %parallel_loop3A_1199 = arith.andi %parallel_loop3A_1192, %parallel_loop3A_1198 : vector<16xi32>
        %parallel_loop3A_1200 = tpu.bitcast %parallel_loop3A_1199 : vector<16xi32> -> vector<16xf32>
        %parallel_loop3A_1201 = arith.addf %parallel_loop3A_1141, %parallel_loop3A_1184 : vector<16xf32>
        %parallel_loop3A_1202 = arith.addf %parallel_loop3A_1142, %parallel_loop3A_1188 : vector<16xf32>
        %parallel_loop3A_1203 = arith.addf %parallel_loop3A_1143, %parallel_loop3A_1196 : vector<16xf32>
        %parallel_loop3A_1204 = arith.addf %parallel_loop3A_1144, %parallel_loop3A_1200 : vector<16xf32>
        %parallel_loop3A_1205 = arith.index_cast %parallel_loop3A_1176 : i32 to index
        %parallel_loop3A_1206 = arith.constant 16 : index
        %parallel_loop3A_1207 = tpu.vector_load %arg9[%parallel_loop3A_1205, %parallel_loop3A_1206] {strides = array<i32>} : memref<128x32xi32, #tpu.memory_space<vmem>>, vector<1x16xi32>,
        %parallel_loop3A_1208 = vector.shape_cast %parallel_loop3A_1207 : vector<1x16xi32> to vector<16xi32>
        %parallel_loop3A_1209 = arith.constant 16 : i32
        %parallel_loop3A_1210 = vector.broadcast %parallel_loop3A_1209 : i32 to vector<16xi32>
        %parallel_loop3A_1211 = arith.shli %parallel_loop3A_1208, %parallel_loop3A_1210 : vector<16xi32>
        %parallel_loop3A_1212 = tpu.bitcast %parallel_loop3A_1211 : vector<16xi32> -> vector<16xf32>
        %parallel_loop3A_1213 = arith.constant -65536 : i32
        %parallel_loop3A_1214 = vector.broadcast %parallel_loop3A_1213 : i32 to vector<16xi32>
        %parallel_loop3A_1215 = arith.andi %parallel_loop3A_1208, %parallel_loop3A_1214 : vector<16xi32>
        %parallel_loop3A_1216 = tpu.bitcast %parallel_loop3A_1215 : vector<16xi32> -> vector<16xf32>
        %parallel_loop3A_1217 = arith.index_cast %parallel_loop3A_1176 : i32 to index
        %parallel_loop3A_1218 = arith.constant 16 : index
        %parallel_loop3A_1219 = tpu.vector_load %arg10[%parallel_loop3A_1217, %parallel_loop3A_1218] {strides = array<i32>} : memref<128x32xi32, #tpu.memory_space<vmem>>, vector<1x16xi32>,
        %parallel_loop3A_1220 = vector.shape_cast %parallel_loop3A_1219 : vector<1x16xi32> to vector<16xi32>
        %parallel_loop3A_1221 = arith.constant 16 : i32
        %parallel_loop3A_1222 = vector.broadcast %parallel_loop3A_1221 : i32 to vector<16xi32>
        %parallel_loop3A_1223 = arith.shli %parallel_loop3A_1220, %parallel_loop3A_1222 : vector<16xi32>
        %parallel_loop3A_1224 = tpu.bitcast %parallel_loop3A_1223 : vector<16xi32> -> vector<16xf32>
        %parallel_loop3A_1225 = arith.constant -65536 : i32
        %parallel_loop3A_1226 = vector.broadcast %parallel_loop3A_1225 : i32 to vector<16xi32>
        %parallel_loop3A_1227 = arith.andi %parallel_loop3A_1220, %parallel_loop3A_1226 : vector<16xi32>
        %parallel_loop3A_1228 = tpu.bitcast %parallel_loop3A_1227 : vector<16xi32> -> vector<16xf32>
        %parallel_loop3A_1229 = arith.addf %parallel_loop3A_1169, %parallel_loop3A_1212 : vector<16xf32>
        %parallel_loop3A_1230 = arith.addf %parallel_loop3A_1170, %parallel_loop3A_1216 : vector<16xf32>
        %parallel_loop3A_1231 = arith.addf %parallel_loop3A_1171, %parallel_loop3A_1224 : vector<16xf32>
        %parallel_loop3A_1232 = arith.addf %parallel_loop3A_1172, %parallel_loop3A_1228 : vector<16xf32>
        scf.yield %parallel_loop3A_1201, %parallel_loop3A_1202, %parallel_loop3A_1229, %parallel_loop3A_1230, %parallel_loop3A_1203, %parallel_loop3A_1204, %parallel_loop3A_1231, %parallel_loop3A_1232 : vector<16xf32>, vector<16xf32>, vector<16xf32>, vector<16xf32>, vector<16xf32>, vector<16xf32>, vector<16xf32>, vector<16xf32>
      } {sc.loop_unroll_factor = 2 : i64, sc.parallel_access}
      %add3A_556 = arith.constant 2 : i32
      %add3A_557 = arith.addi %mul3A_111, %add3A_556 : i32
      %add3A_558 = arith.constant 0 : i32
      %add3A_559 = arith.addi %add3A_557, %add3A_558 : i32
      %add3A_560 = arith.addf %parallel_loop3A_555#0, %get3A_64 : vector<16xf32>
      %add3A_561 = arith.addf %parallel_loop3A_555#1, %get3A_67 : vector<16xf32>
      %add3A_562 = arith.addf %parallel_loop3A_555#2, %get3A_70 : vector<16xf32>
      %add3A_563 = arith.addf %parallel_loop3A_555#3, %get3A_73 : vector<16xf32>
      %max3A_564 = arith.maximumf %add3A_560, %add3A_561 : vector<16xf32>
      %max3A_565 = arith.maximumf %add3A_562, %add3A_563 : vector<16xf32>
      %max3A_566 = arith.maximumf %max3A_564, %max3A_565 : vector<16xf32>
      %iota3A_567 = tpu.iota {dimensions = array<i32: 0>} : vector<16xi32>
      %xor3A_568 = arith.constant 8 : i32
      %xor3A_569 = vector.broadcast %xor3A_568 : i32 to vector<16xi32>
      %xor3A_570 = arith.xori %iota3A_567, %xor3A_569 : vector<16xi32>
      %lt3A_571 = arith.constant 0 : i32
      %lt3A_572 = vector.broadcast %lt3A_571 : i32 to vector<16xi32>
      %lt3A_573 = arith.cmpi slt, %xor3A_570, %lt3A_572 : vector<16xi32>
      %add3A_574 = arith.constant 16 : i32
      %add3A_575 = vector.broadcast %add3A_574 : i32 to vector<16xi32>
      %add3A_576 = arith.addi %xor3A_570, %add3A_575 : vector<16xi32>
      %select_n3A_577 = arith.select %lt3A_573, %add3A_576, %xor3A_570 : vector<16xi1>, vector<16xi32>
      %broadcast_in_dim3A_578 = vector.shape_cast %select_n3A_577 : vector<16xi32> to vector<16x1xi32>
      %gather3A_579 = vector.shape_cast %broadcast_in_dim3A_578 : vector<16x1xi32> to vector<16xi32>
      %gather3A_580 = tpu.dynamic_gather %max3A_566[%gather3A_579] in [0] : vector<16xf32>, vector<16xi32> -> vector<16xf32>
      %max3A_581 = arith.maximumf %max3A_566, %gather3A_580 : vector<16xf32>
      %xor3A_582 = arith.constant 4 : i32
      %xor3A_583 = vector.broadcast %xor3A_582 : i32 to vector<16xi32>
      %xor3A_584 = arith.xori %iota3A_567, %xor3A_583 : vector<16xi32>
      %lt3A_585 = arith.constant 0 : i32
      %lt3A_586 = vector.broadcast %lt3A_585 : i32 to vector<16xi32>
      %lt3A_587 = arith.cmpi slt, %xor3A_584, %lt3A_586 : vector<16xi32>
      %add3A_588 = arith.constant 16 : i32
      %add3A_589 = vector.broadcast %add3A_588 : i32 to vector<16xi32>
      %add3A_590 = arith.addi %xor3A_584, %add3A_589 : vector<16xi32>
      %select_n3A_591 = arith.select %lt3A_587, %add3A_590, %xor3A_584 : vector<16xi1>, vector<16xi32>
      %broadcast_in_dim3A_592 = vector.shape_cast %select_n3A_591 : vector<16xi32> to vector<16x1xi32>
      %gather3A_593 = vector.shape_cast %broadcast_in_dim3A_592 : vector<16x1xi32> to vector<16xi32>
      %gather3A_594 = tpu.dynamic_gather %max3A_581[%gather3A_593] in [0] : vector<16xf32>, vector<16xi32> -> vector<16xf32>
      %max3A_595 = arith.maximumf %max3A_581, %gather3A_594 : vector<16xf32>
      %xor3A_596 = arith.constant 2 : i32
      %xor3A_597 = vector.broadcast %xor3A_596 : i32 to vector<16xi32>
      %xor3A_598 = arith.xori %iota3A_567, %xor3A_597 : vector<16xi32>
      %lt3A_599 = arith.constant 0 : i32
      %lt3A_600 = vector.broadcast %lt3A_599 : i32 to vector<16xi32>
      %lt3A_601 = arith.cmpi slt, %xor3A_598, %lt3A_600 : vector<16xi32>
      %add3A_602 = arith.constant 16 : i32
      %add3A_603 = vector.broadcast %add3A_602 : i32 to vector<16xi32>
      %add3A_604 = arith.addi %xor3A_598, %add3A_603 : vector<16xi32>
      %select_n3A_605 = arith.select %lt3A_601, %add3A_604, %xor3A_598 : vector<16xi1>, vector<16xi32>
      %broadcast_in_dim3A_606 = vector.shape_cast %select_n3A_605 : vector<16xi32> to vector<16x1xi32>
      %gather3A_607 = vector.shape_cast %broadcast_in_dim3A_606 : vector<16x1xi32> to vector<16xi32>
      %gather3A_608 = tpu.dynamic_gather %max3A_595[%gather3A_607] in [0] : vector<16xf32>, vector<16xi32> -> vector<16xf32>
      %max3A_609 = arith.maximumf %max3A_595, %gather3A_608 : vector<16xf32>
      %xor3A_610 = arith.constant 1 : i32
      %xor3A_611 = vector.broadcast %xor3A_610 : i32 to vector<16xi32>
      %xor3A_612 = arith.xori %iota3A_567, %xor3A_611 : vector<16xi32>
      %lt3A_613 = arith.constant 0 : i32
      %lt3A_614 = vector.broadcast %lt3A_613 : i32 to vector<16xi32>
      %lt3A_615 = arith.cmpi slt, %xor3A_612, %lt3A_614 : vector<16xi32>
      %add3A_616 = arith.constant 16 : i32
      %add3A_617 = vector.broadcast %add3A_616 : i32 to vector<16xi32>
      %add3A_618 = arith.addi %xor3A_612, %add3A_617 : vector<16xi32>
      %select_n3A_619 = arith.select %lt3A_615, %add3A_618, %xor3A_612 : vector<16xi1>, vector<16xi32>
      %broadcast_in_dim3A_620 = vector.shape_cast %select_n3A_619 : vector<16xi32> to vector<16x1xi32>
      %gather3A_621 = vector.shape_cast %broadcast_in_dim3A_620 : vector<16x1xi32> to vector<16xi32>
      %gather3A_622 = tpu.dynamic_gather %max3A_609[%gather3A_621] in [0] : vector<16xf32>, vector<16xi32> -> vector<16xf32>
      %max3A_623 = arith.maximumf %max3A_609, %gather3A_622 : vector<16xf32>
      %sub3A_624 = arith.subf %add3A_560, %max3A_623 : vector<16xf32>
      %exp3A_625 = math.exp %sub3A_624 : vector<16xf32>
      %sub3A_626 = arith.subf %add3A_561, %max3A_623 : vector<16xf32>
      %exp3A_627 = math.exp %sub3A_626 : vector<16xf32>
      %add3A_628 = arith.addf %exp3A_625, %exp3A_627 : vector<16xf32>
      %sub3A_629 = arith.subf %add3A_562, %max3A_623 : vector<16xf32>
      %exp3A_630 = math.exp %sub3A_629 : vector<16xf32>
      %add3A_631 = arith.addf %add3A_628, %exp3A_630 : vector<16xf32>
      %sub3A_632 = arith.subf %add3A_563, %max3A_623 : vector<16xf32>
      %exp3A_633 = math.exp %sub3A_632 : vector<16xf32>
      %add3A_634 = arith.addf %add3A_631, %exp3A_633 : vector<16xf32>
      %iota3A_635 = tpu.iota {dimensions = array<i32: 0>} : vector<16xi32>
      %xor3A_636 = arith.constant 8 : i32
      %xor3A_637 = vector.broadcast %xor3A_636 : i32 to vector<16xi32>
      %xor3A_638 = arith.xori %iota3A_635, %xor3A_637 : vector<16xi32>
      %lt3A_639 = arith.constant 0 : i32
      %lt3A_640 = vector.broadcast %lt3A_639 : i32 to vector<16xi32>
      %lt3A_641 = arith.cmpi slt, %xor3A_638, %lt3A_640 : vector<16xi32>
      %add3A_642 = arith.constant 16 : i32
      %add3A_643 = vector.broadcast %add3A_642 : i32 to vector<16xi32>
      %add3A_644 = arith.addi %xor3A_638, %add3A_643 : vector<16xi32>
      %select_n3A_645 = arith.select %lt3A_641, %add3A_644, %xor3A_638 : vector<16xi1>, vector<16xi32>
      %broadcast_in_dim3A_646 = vector.shape_cast %select_n3A_645 : vector<16xi32> to vector<16x1xi32>
      %gather3A_647 = vector.shape_cast %broadcast_in_dim3A_646 : vector<16x1xi32> to vector<16xi32>
      %gather3A_648 = tpu.dynamic_gather %add3A_634[%gather3A_647] in [0] : vector<16xf32>, vector<16xi32> -> vector<16xf32>
      %add3A_649 = arith.addf %add3A_634, %gather3A_648 : vector<16xf32>
      %xor3A_650 = arith.constant 4 : i32
      %xor3A_651 = vector.broadcast %xor3A_650 : i32 to vector<16xi32>
      %xor3A_652 = arith.xori %iota3A_635, %xor3A_651 : vector<16xi32>
      %lt3A_653 = arith.constant 0 : i32
      %lt3A_654 = vector.broadcast %lt3A_653 : i32 to vector<16xi32>
      %lt3A_655 = arith.cmpi slt, %xor3A_652, %lt3A_654 : vector<16xi32>
      %add3A_656 = arith.constant 16 : i32
      %add3A_657 = vector.broadcast %add3A_656 : i32 to vector<16xi32>
      %add3A_658 = arith.addi %xor3A_652, %add3A_657 : vector<16xi32>
      %select_n3A_659 = arith.select %lt3A_655, %add3A_658, %xor3A_652 : vector<16xi1>, vector<16xi32>
      %broadcast_in_dim3A_660 = vector.shape_cast %select_n3A_659 : vector<16xi32> to vector<16x1xi32>
      %gather3A_661 = vector.shape_cast %broadcast_in_dim3A_660 : vector<16x1xi32> to vector<16xi32>
      %gather3A_662 = tpu.dynamic_gather %add3A_649[%gather3A_661] in [0] : vector<16xf32>, vector<16xi32> -> vector<16xf32>
      %add3A_663 = arith.addf %add3A_649, %gather3A_662 : vector<16xf32>
      %xor3A_664 = arith.constant 2 : i32
      %xor3A_665 = vector.broadcast %xor3A_664 : i32 to vector<16xi32>
      %xor3A_666 = arith.xori %iota3A_635, %xor3A_665 : vector<16xi32>
      %lt3A_667 = arith.constant 0 : i32
      %lt3A_668 = vector.broadcast %lt3A_667 : i32 to vector<16xi32>
      %lt3A_669 = arith.cmpi slt, %xor3A_666, %lt3A_668 : vector<16xi32>
      %add3A_670 = arith.constant 16 : i32
      %add3A_671 = vector.broadcast %add3A_670 : i32 to vector<16xi32>
      %add3A_672 = arith.addi %xor3A_666, %add3A_671 : vector<16xi32>
      %select_n3A_673 = arith.select %lt3A_669, %add3A_672, %xor3A_666 : vector<16xi1>, vector<16xi32>
      %broadcast_in_dim3A_674 = vector.shape_cast %select_n3A_673 : vector<16xi32> to vector<16x1xi32>
      %gather3A_675 = vector.shape_cast %broadcast_in_dim3A_674 : vector<16x1xi32> to vector<16xi32>
      %gather3A_676 = tpu.dynamic_gather %add3A_663[%gather3A_675] in [0] : vector<16xf32>, vector<16xi32> -> vector<16xf32>
      %add3A_677 = arith.addf %add3A_663, %gather3A_676 : vector<16xf32>
      %xor3A_678 = arith.constant 1 : i32
      %xor3A_679 = vector.broadcast %xor3A_678 : i32 to vector<16xi32>
      %xor3A_680 = arith.xori %iota3A_635, %xor3A_679 : vector<16xi32>
      %lt3A_681 = arith.constant 0 : i32
      %lt3A_682 = vector.broadcast %lt3A_681 : i32 to vector<16xi32>
      %lt3A_683 = arith.cmpi slt, %xor3A_680, %lt3A_682 : vector<16xi32>
      %add3A_684 = arith.constant 16 : i32
      %add3A_685 = vector.broadcast %add3A_684 : i32 to vector<16xi32>
      %add3A_686 = arith.addi %xor3A_680, %add3A_685 : vector<16xi32>
      %select_n3A_687 = arith.select %lt3A_683, %add3A_686, %xor3A_680 : vector<16xi1>, vector<16xi32>
      %broadcast_in_dim3A_688 = vector.shape_cast %select_n3A_687 : vector<16xi32> to vector<16x1xi32>
      %gather3A_689 = vector.shape_cast %broadcast_in_dim3A_688 : vector<16x1xi32> to vector<16xi32>
      %gather3A_690 = tpu.dynamic_gather %add3A_677[%gather3A_689] in [0] : vector<16xf32>, vector<16xi32> -> vector<16xf32>
      %add3A_691 = arith.addf %add3A_677, %gather3A_690 : vector<16xf32>
      %bitcast_convert_type3A_692 = tpu.bitcast %add3A_691 : vector<16xf32> -> vector<16xi32>
      %shift_right_arithmetic3A_693 = arith.constant 23 : i32
      %shift_right_arithmetic3A_694 = vector.broadcast %shift_right_arithmetic3A_693 : i32 to vector<16xi32>
      %shift_right_arithmetic3A_695 = arith.shrsi %bitcast_convert_type3A_692, %shift_right_arithmetic3A_694 : vector<16xi32>
      %and3A_696 = arith.constant 255 : i32
      %and3A_697 = vector.broadcast %and3A_696 : i32 to vector<16xi32>
      %and3A_698 = arith.andi %shift_right_arithmetic3A_695, %and3A_697 : vector<16xi32>
      %sub3A_699 = arith.constant 127 : i32
      %sub3A_700 = vector.broadcast %sub3A_699 : i32 to vector<16xi32>
      %sub3A_701 = arith.subi %and3A_698, %sub3A_700 : vector<16xi32>
      %and3A_702 = arith.constant 8388607 : i32
      %and3A_703 = vector.broadcast %and3A_702 : i32 to vector<16xi32>
      %and3A_704 = arith.andi %bitcast_convert_type3A_692, %and3A_703 : vector<16xi32>
      %or3A_705 = arith.constant 1065353216 : i32
      %or3A_706 = vector.broadcast %or3A_705 : i32 to vector<16xi32>
      %or3A_707 = arith.ori %and3A_704, %or3A_706 : vector<16xi32>
      %bitcast_convert_type3A_708 = tpu.bitcast %or3A_707 : vector<16xi32> -> vector<16xf32>
      %sub3A_709 = arith.constant 1.000000e+00 : f32
      %sub3A_710 = vector.broadcast %sub3A_709 : f32 to vector<16xf32>
      %sub3A_711 = arith.subf %bitcast_convert_type3A_708, %sub3A_710 : vector<16xf32>
      %add3A_712 = arith.constant 1.000000e+00 : f32
      %add3A_713 = vector.broadcast %add3A_712 : f32 to vector<16xf32>
      %add3A_714 = arith.addf %bitcast_convert_type3A_708, %add3A_713 : vector<16xf32>
      %div3A_715 = arith.divf %sub3A_711, %add3A_714 : vector<16xf32>
      %mul3A_716 = arith.mulf %div3A_715, %div3A_715 : vector<16xf32>
      %mul3A_717 = arith.constant 0.285714298 : f32
      %mul3A_718 = vector.broadcast %mul3A_717 : f32 to vector<16xf32>
      %mul3A_719 = arith.mulf %mul3A_716, %mul3A_718 : vector<16xf32>
      %add3A_720 = arith.constant 4.000000e-01 : f32
      %add3A_721 = vector.broadcast %add3A_720 : f32 to vector<16xf32>
      %add3A_722 = arith.addf %add3A_721, %mul3A_719 : vector<16xf32>
      %mul3A_723 = arith.mulf %mul3A_716, %add3A_722 : vector<16xf32>
      %add3A_724 = arith.constant 0.666666686 : f32
      %add3A_725 = vector.broadcast %add3A_724 : f32 to vector<16xf32>
      %add3A_726 = arith.addf %add3A_725, %mul3A_723 : vector<16xf32>
      %mul3A_727 = arith.mulf %mul3A_716, %add3A_726 : vector<16xf32>
      %add3A_728 = arith.constant 2.000000e+00 : f32
      %add3A_729 = vector.broadcast %add3A_728 : f32 to vector<16xf32>
      %add3A_730 = arith.addf %add3A_729, %mul3A_727 : vector<16xf32>
      %mul3A_731 = arith.mulf %div3A_715, %add3A_730 : vector<16xf32>
      %convert_element_type3A_732 = arith.sitofp %sub3A_701 : vector<16xi32> to vector<16xf32>
      %mul3A_733 = arith.constant 0.693147182 : f32
      %mul3A_734 = vector.broadcast %mul3A_733 : f32 to vector<16xf32>
      %mul3A_735 = arith.mulf %convert_element_type3A_732, %mul3A_734 : vector<16xf32>
      %add3A_736 = arith.addf %mul3A_735, %mul3A_731 : vector<16xf32>
      %add3A_737 = arith.addf %add3A_736, %max3A_623 : vector<16xf32>
      %jit3A_738 = arith.constant 16 : i32
      %eq3A_739 = arith.constant 0 : i32
      %eq3A_740 = arith.cmpi eq, %jit3A_738, %eq3A_739 : i32
      %jit3A_741 = arith.constant 1 : i32
      %select_n3A_742 = arith.select %eq3A_740, %jit3A_741, %jit3A_738 : i32
      %rem3A_743 = arith.remsi %add3A_559, %select_n3A_742 : i32
      %ne3A_744 = arith.constant 0 : i32
      %ne3A_745 = arith.cmpi ne, %rem3A_743, %ne3A_744 : i32
      %lt3A_746 = arith.constant 0 : i32
      %lt3A_747 = arith.cmpi slt, %rem3A_743, %lt3A_746 : i32
      %lt3A_748 = arith.constant 0 : i32
      %lt3A_749 = arith.cmpi slt, %select_n3A_742, %lt3A_748 : i32
      %ne3A_750 = arith.xori %lt3A_747, %lt3A_749 : i1
      %and3A_751 = arith.andi %ne3A_750, %ne3A_745 : i1
      %add3A_752 = arith.addi %rem3A_743, %select_n3A_742 : i32
      %select_n3A_753 = arith.select %and3A_751, %add3A_752, %rem3A_743 : i32
      %iota3A_754 = tpu.iota {dimensions = array<i32: 0>} : vector<16xi32>
      %eq3A_755 = vector.broadcast %select_n3A_753 : i32 to vector<16xi32>
      %eq3A_756 = arith.cmpi eq, %iota3A_754, %eq3A_755 : vector<16xi32>
      %select_n3A_757 = arith.select %eq3A_756, %add3A_737, %select_n3A_525 : vector<16xi1>, vector<16xf32>
      %eq3A_758 = arith.constant 15 : i32
      %eq3A_759 = arith.cmpi eq, %select_n3A_753, %eq3A_758 : i32
      %convert_element_type3A_760 = arith.extui %eq3A_759 : i1 to i32
      %cond3A_761 = arith.constant 0 : i32
      %cond3A_762 = arith.cmpi ne, %convert_element_type3A_760, %cond3A_761 : i32
      scf.if %cond3A_762 {
        %sub3A_984 = arith.constant 15 : i32
        %sub3A_985 = arith.subi %add3A_559, %sub3A_984 : i32
        %swap3A = arith.index_cast %sub3A_985 : i32 to index
        %swap3A_986 = tpu.vector_load %arg12[%swap3A] {strides = array<i32>} : memref<128xf32, #tpu.memory_space<vmem>>, vector<16xf32>,
        %swap3A_987 = vector.shape_cast %swap3A_986 : vector<16xf32> to vector<16xf32>
        %swap3A_988 = vector.shape_cast %select_n3A_757 : vector<16xf32> to vector<16xf32>
        tpu.vector_store %arg12[%swap3A], %swap3A_988 {strides = array<i32>} : memref<128xf32, #tpu.memory_space<vmem>>, vector<16xf32>,
      } else {
      }
      %add3A_763 = arith.constant 4 : i32
      %add3A_764 = arith.addi %add3A_559, %add3A_763 : i32
      %lt3A_765 = arith.constant 128 : i32
      %lt3A_766 = arith.cmpi slt, %add3A_764, %lt3A_765 : i32
      %convert_element_type3A_767 = arith.extui %lt3A_766 : i1 to i32
      %cond3A_768 = arith.constant 0 : i32
      %cond3A_769 = arith.cmpi ne, %convert_element_type3A_767, %cond3A_768 : i32
      scf.if %cond3A_769 {
        %add3A_984 = arith.constant 4 : i32
        %add3A_985 = arith.addi %add3A_559, %add3A_984 : i32
        %dma_start3A_986 = arith.constant 0 : i32
        %dma_start3A_987 = tpu.memref_slice %arg6[%add3A_985, %dma_start3A_986] : memref<128x128xi32, #tpu.memory_space<vmem>> -> memref<1x128xi32, #tpu.memory_space<vmem>>
        %dma_start3A_988 = tpu.memref_squeeze %dma_start3A_987 : memref<1x128xi32, #tpu.memory_space<vmem>> -> memref<128xi32, #tpu.memory_space<vmem>>
        %dma_start3A_989 = arith.constant 0 : i32
        %dma_start3A_990 = arith.constant 0 : i32
        %dma_start3A_991 = tpu.memref_slice %arg4[%dma_start3A_989, %dma_start3A_990] : memref<128000x32xi32, #tpu.memory_space<hbm>> -> memref<128000x32xi32, #tpu.memory_space<hbm>>
        tpu.enqueue_indirect_dma source(%dma_start3A_991 : memref<128000x32xi32, #tpu.memory_space<hbm>>) target(%arg9 : memref<128x32xi32, #tpu.memory_space<vmem>>) offsets(%dma_start3A_988 : memref<128xi32, #tpu.memory_space<vmem>>) semaphore(%arg15 : memref<!tpu.dma_semaphore, #tpu.memory_space<semaphore_mem>>)
      } else {
      }
      %add3A_770 = arith.constant 2 : i32
      %add3A_771 = arith.addi %mul3A_111, %add3A_770 : i32
      %add3A_772 = arith.constant 1 : i32
      %add3A_773 = arith.addi %add3A_771, %add3A_772 : i32
      %add3A_774 = arith.addf %parallel_loop3A_555#4, %get3A_64 : vector<16xf32>
      %add3A_775 = arith.addf %parallel_loop3A_555#5, %get3A_67 : vector<16xf32>
      %add3A_776 = arith.addf %parallel_loop3A_555#6, %get3A_70 : vector<16xf32>
      %add3A_777 = arith.addf %parallel_loop3A_555#7, %get3A_73 : vector<16xf32>
      %max3A_778 = arith.maximumf %add3A_774, %add3A_775 : vector<16xf32>
      %max3A_779 = arith.maximumf %add3A_776, %add3A_777 : vector<16xf32>
      %max3A_780 = arith.maximumf %max3A_778, %max3A_779 : vector<16xf32>
      %iota3A_781 = tpu.iota {dimensions = array<i32: 0>} : vector<16xi32>
      %xor3A_782 = arith.constant 8 : i32
      %xor3A_783 = vector.broadcast %xor3A_782 : i32 to vector<16xi32>
      %xor3A_784 = arith.xori %iota3A_781, %xor3A_783 : vector<16xi32>
      %lt3A_785 = arith.constant 0 : i32
      %lt3A_786 = vector.broadcast %lt3A_785 : i32 to vector<16xi32>
      %lt3A_787 = arith.cmpi slt, %xor3A_784, %lt3A_786 : vector<16xi32>
      %add3A_788 = arith.constant 16 : i32
      %add3A_789 = vector.broadcast %add3A_788 : i32 to vector<16xi32>
      %add3A_790 = arith.addi %xor3A_784, %add3A_789 : vector<16xi32>
      %select_n3A_791 = arith.select %lt3A_787, %add3A_790, %xor3A_784 : vector<16xi1>, vector<16xi32>
      %broadcast_in_dim3A_792 = vector.shape_cast %select_n3A_791 : vector<16xi32> to vector<16x1xi32>
      %gather3A_793 = vector.shape_cast %broadcast_in_dim3A_792 : vector<16x1xi32> to vector<16xi32>
      %gather3A_794 = tpu.dynamic_gather %max3A_780[%gather3A_793] in [0] : vector<16xf32>, vector<16xi32> -> vector<16xf32>
      %max3A_795 = arith.maximumf %max3A_780, %gather3A_794 : vector<16xf32>
      %xor3A_796 = arith.constant 4 : i32
      %xor3A_797 = vector.broadcast %xor3A_796 : i32 to vector<16xi32>
      %xor3A_798 = arith.xori %iota3A_781, %xor3A_797 : vector<16xi32>
      %lt3A_799 = arith.constant 0 : i32
      %lt3A_800 = vector.broadcast %lt3A_799 : i32 to vector<16xi32>
      %lt3A_801 = arith.cmpi slt, %xor3A_798, %lt3A_800 : vector<16xi32>
      %add3A_802 = arith.constant 16 : i32
      %add3A_803 = vector.broadcast %add3A_802 : i32 to vector<16xi32>
      %add3A_804 = arith.addi %xor3A_798, %add3A_803 : vector<16xi32>
      %select_n3A_805 = arith.select %lt3A_801, %add3A_804, %xor3A_798 : vector<16xi1>, vector<16xi32>
      %broadcast_in_dim3A_806 = vector.shape_cast %select_n3A_805 : vector<16xi32> to vector<16x1xi32>
      %gather3A_807 = vector.shape_cast %broadcast_in_dim3A_806 : vector<16x1xi32> to vector<16xi32>
      %gather3A_808 = tpu.dynamic_gather %max3A_795[%gather3A_807] in [0] : vector<16xf32>, vector<16xi32> -> vector<16xf32>
      %max3A_809 = arith.maximumf %max3A_795, %gather3A_808 : vector<16xf32>
      %xor3A_810 = arith.constant 2 : i32
      %xor3A_811 = vector.broadcast %xor3A_810 : i32 to vector<16xi32>
      %xor3A_812 = arith.xori %iota3A_781, %xor3A_811 : vector<16xi32>
      %lt3A_813 = arith.constant 0 : i32
      %lt3A_814 = vector.broadcast %lt3A_813 : i32 to vector<16xi32>
      %lt3A_815 = arith.cmpi slt, %xor3A_812, %lt3A_814 : vector<16xi32>
      %add3A_816 = arith.constant 16 : i32
      %add3A_817 = vector.broadcast %add3A_816 : i32 to vector<16xi32>
      %add3A_818 = arith.addi %xor3A_812, %add3A_817 : vector<16xi32>
      %select_n3A_819 = arith.select %lt3A_815, %add3A_818, %xor3A_812 : vector<16xi1>, vector<16xi32>
      %broadcast_in_dim3A_820 = vector.shape_cast %select_n3A_819 : vector<16xi32> to vector<16x1xi32>
      %gather3A_821 = vector.shape_cast %broadcast_in_dim3A_820 : vector<16x1xi32> to vector<16xi32>
      %gather3A_822 = tpu.dynamic_gather %max3A_809[%gather3A_821] in [0] : vector<16xf32>, vector<16xi32> -> vector<16xf32>
      %max3A_823 = arith.maximumf %max3A_809, %gather3A_822 : vector<16xf32>
      %xor3A_824 = arith.constant 1 : i32
      %xor3A_825 = vector.broadcast %xor3A_824 : i32 to vector<16xi32>
      %xor3A_826 = arith.xori %iota3A_781, %xor3A_825 : vector<16xi32>
      %lt3A_827 = arith.constant 0 : i32
      %lt3A_828 = vector.broadcast %lt3A_827 : i32 to vector<16xi32>
      %lt3A_829 = arith.cmpi slt, %xor3A_826, %lt3A_828 : vector<16xi32>
      %add3A_830 = arith.constant 16 : i32
      %add3A_831 = vector.broadcast %add3A_830 : i32 to vector<16xi32>
      %add3A_832 = arith.addi %xor3A_826, %add3A_831 : vector<16xi32>
      %select_n3A_833 = arith.select %lt3A_829, %add3A_832, %xor3A_826 : vector<16xi1>, vector<16xi32>
      %broadcast_in_dim3A_834 = vector.shape_cast %select_n3A_833 : vector<16xi32> to vector<16x1xi32>
      %gather3A_835 = vector.shape_cast %broadcast_in_dim3A_834 : vector<16x1xi32> to vector<16xi32>
      %gather3A_836 = tpu.dynamic_gather %max3A_823[%gather3A_835] in [0] : vector<16xf32>, vector<16xi32> -> vector<16xf32>
      %max3A_837 = arith.maximumf %max3A_823, %gather3A_836 : vector<16xf32>
      %sub3A_838 = arith.subf %add3A_774, %max3A_837 : vector<16xf32>
      %exp3A_839 = math.exp %sub3A_838 : vector<16xf32>
      %sub3A_840 = arith.subf %add3A_775, %max3A_837 : vector<16xf32>
      %exp3A_841 = math.exp %sub3A_840 : vector<16xf32>
      %add3A_842 = arith.addf %exp3A_839, %exp3A_841 : vector<16xf32>
      %sub3A_843 = arith.subf %add3A_776, %max3A_837 : vector<16xf32>
      %exp3A_844 = math.exp %sub3A_843 : vector<16xf32>
      %add3A_845 = arith.addf %add3A_842, %exp3A_844 : vector<16xf32>
      %sub3A_846 = arith.subf %add3A_777, %max3A_837 : vector<16xf32>
      %exp3A_847 = math.exp %sub3A_846 : vector<16xf32>
      %add3A_848 = arith.addf %add3A_845, %exp3A_847 : vector<16xf32>
      %iota3A_849 = tpu.iota {dimensions = array<i32: 0>} : vector<16xi32>
      %xor3A_850 = arith.constant 8 : i32
      %xor3A_851 = vector.broadcast %xor3A_850 : i32 to vector<16xi32>
      %xor3A_852 = arith.xori %iota3A_849, %xor3A_851 : vector<16xi32>
      %lt3A_853 = arith.constant 0 : i32
      %lt3A_854 = vector.broadcast %lt3A_853 : i32 to vector<16xi32>
      %lt3A_855 = arith.cmpi slt, %xor3A_852, %lt3A_854 : vector<16xi32>
      %add3A_856 = arith.constant 16 : i32
      %add3A_857 = vector.broadcast %add3A_856 : i32 to vector<16xi32>
      %add3A_858 = arith.addi %xor3A_852, %add3A_857 : vector<16xi32>
      %select_n3A_859 = arith.select %lt3A_855, %add3A_858, %xor3A_852 : vector<16xi1>, vector<16xi32>
      %broadcast_in_dim3A_860 = vector.shape_cast %select_n3A_859 : vector<16xi32> to vector<16x1xi32>
      %gather3A_861 = vector.shape_cast %broadcast_in_dim3A_860 : vector<16x1xi32> to vector<16xi32>
      %gather3A_862 = tpu.dynamic_gather %add3A_848[%gather3A_861] in [0] : vector<16xf32>, vector<16xi32> -> vector<16xf32>
      %add3A_863 = arith.addf %add3A_848, %gather3A_862 : vector<16xf32>
      %xor3A_864 = arith.constant 4 : i32
      %xor3A_865 = vector.broadcast %xor3A_864 : i32 to vector<16xi32>
      %xor3A_866 = arith.xori %iota3A_849, %xor3A_865 : vector<16xi32>
      %lt3A_867 = arith.constant 0 : i32
      %lt3A_868 = vector.broadcast %lt3A_867 : i32 to vector<16xi32>
      %lt3A_869 = arith.cmpi slt, %xor3A_866, %lt3A_868 : vector<16xi32>
      %add3A_870 = arith.constant 16 : i32
      %add3A_871 = vector.broadcast %add3A_870 : i32 to vector<16xi32>
      %add3A_872 = arith.addi %xor3A_866, %add3A_871 : vector<16xi32>
      %select_n3A_873 = arith.select %lt3A_869, %add3A_872, %xor3A_866 : vector<16xi1>, vector<16xi32>
      %broadcast_in_dim3A_874 = vector.shape_cast %select_n3A_873 : vector<16xi32> to vector<16x1xi32>
      %gather3A_875 = vector.shape_cast %broadcast_in_dim3A_874 : vector<16x1xi32> to vector<16xi32>
      %gather3A_876 = tpu.dynamic_gather %add3A_863[%gather3A_875] in [0] : vector<16xf32>, vector<16xi32> -> vector<16xf32>
      %add3A_877 = arith.addf %add3A_863, %gather3A_876 : vector<16xf32>
      %xor3A_878 = arith.constant 2 : i32
      %xor3A_879 = vector.broadcast %xor3A_878 : i32 to vector<16xi32>
      %xor3A_880 = arith.xori %iota3A_849, %xor3A_879 : vector<16xi32>
      %lt3A_881 = arith.constant 0 : i32
      %lt3A_882 = vector.broadcast %lt3A_881 : i32 to vector<16xi32>
      %lt3A_883 = arith.cmpi slt, %xor3A_880, %lt3A_882 : vector<16xi32>
      %add3A_884 = arith.constant 16 : i32
      %add3A_885 = vector.broadcast %add3A_884 : i32 to vector<16xi32>
      %add3A_886 = arith.addi %xor3A_880, %add3A_885 : vector<16xi32>
      %select_n3A_887 = arith.select %lt3A_883, %add3A_886, %xor3A_880 : vector<16xi1>, vector<16xi32>
      %broadcast_in_dim3A_888 = vector.shape_cast %select_n3A_887 : vector<16xi32> to vector<16x1xi32>
      %gather3A_889 = vector.shape_cast %broadcast_in_dim3A_888 : vector<16x1xi32> to vector<16xi32>
      %gather3A_890 = tpu.dynamic_gather %add3A_877[%gather3A_889] in [0] : vector<16xf32>, vector<16xi32> -> vector<16xf32>
      %add3A_891 = arith.addf %add3A_877, %gather3A_890 : vector<16xf32>
      %xor3A_892 = arith.constant 1 : i32
      %xor3A_893 = vector.broadcast %xor3A_892 : i32 to vector<16xi32>
      %xor3A_894 = arith.xori %iota3A_849, %xor3A_893 : vector<16xi32>
      %lt3A_895 = arith.constant 0 : i32
      %lt3A_896 = vector.broadcast %lt3A_895 : i32 to vector<16xi32>
      %lt3A_897 = arith.cmpi slt, %xor3A_894, %lt3A_896 : vector<16xi32>
      %add3A_898 = arith.constant 16 : i32
      %add3A_899 = vector.broadcast %add3A_898 : i32 to vector<16xi32>
      %add3A_900 = arith.addi %xor3A_894, %add3A_899 : vector<16xi32>
      %select_n3A_901 = arith.select %lt3A_897, %add3A_900, %xor3A_894 : vector<16xi1>, vector<16xi32>
      %broadcast_in_dim3A_902 = vector.shape_cast %select_n3A_901 : vector<16xi32> to vector<16x1xi32>
      %gather3A_903 = vector.shape_cast %broadcast_in_dim3A_902 : vector<16x1xi32> to vector<16xi32>
      %gather3A_904 = tpu.dynamic_gather %add3A_891[%gather3A_903] in [0] : vector<16xf32>, vector<16xi32> -> vector<16xf32>
      %add3A_905 = arith.addf %add3A_891, %gather3A_904 : vector<16xf32>
      %bitcast_convert_type3A_906 = tpu.bitcast %add3A_905 : vector<16xf32> -> vector<16xi32>
      %shift_right_arithmetic3A_907 = arith.constant 23 : i32
      %shift_right_arithmetic3A_908 = vector.broadcast %shift_right_arithmetic3A_907 : i32 to vector<16xi32>
      %shift_right_arithmetic3A_909 = arith.shrsi %bitcast_convert_type3A_906, %shift_right_arithmetic3A_908 : vector<16xi32>
      %and3A_910 = arith.constant 255 : i32
      %and3A_911 = vector.broadcast %and3A_910 : i32 to vector<16xi32>
      %and3A_912 = arith.andi %shift_right_arithmetic3A_909, %and3A_911 : vector<16xi32>
      %sub3A_913 = arith.constant 127 : i32
      %sub3A_914 = vector.broadcast %sub3A_913 : i32 to vector<16xi32>
      %sub3A_915 = arith.subi %and3A_912, %sub3A_914 : vector<16xi32>
      %and3A_916 = arith.constant 8388607 : i32
      %and3A_917 = vector.broadcast %and3A_916 : i32 to vector<16xi32>
      %and3A_918 = arith.andi %bitcast_convert_type3A_906, %and3A_917 : vector<16xi32>
      %or3A_919 = arith.constant 1065353216 : i32
      %or3A_920 = vector.broadcast %or3A_919 : i32 to vector<16xi32>
      %or3A_921 = arith.ori %and3A_918, %or3A_920 : vector<16xi32>
      %bitcast_convert_type3A_922 = tpu.bitcast %or3A_921 : vector<16xi32> -> vector<16xf32>
      %sub3A_923 = arith.constant 1.000000e+00 : f32
      %sub3A_924 = vector.broadcast %sub3A_923 : f32 to vector<16xf32>
      %sub3A_925 = arith.subf %bitcast_convert_type3A_922, %sub3A_924 : vector<16xf32>
      %add3A_926 = arith.constant 1.000000e+00 : f32
      %add3A_927 = vector.broadcast %add3A_926 : f32 to vector<16xf32>
      %add3A_928 = arith.addf %bitcast_convert_type3A_922, %add3A_927 : vector<16xf32>
      %div3A_929 = arith.divf %sub3A_925, %add3A_928 : vector<16xf32>
      %mul3A_930 = arith.mulf %div3A_929, %div3A_929 : vector<16xf32>
      %mul3A_931 = arith.constant 0.285714298 : f32
      %mul3A_932 = vector.broadcast %mul3A_931 : f32 to vector<16xf32>
      %mul3A_933 = arith.mulf %mul3A_930, %mul3A_932 : vector<16xf32>
      %add3A_934 = arith.constant 4.000000e-01 : f32
      %add3A_935 = vector.broadcast %add3A_934 : f32 to vector<16xf32>
      %add3A_936 = arith.addf %add3A_935, %mul3A_933 : vector<16xf32>
      %mul3A_937 = arith.mulf %mul3A_930, %add3A_936 : vector<16xf32>
      %add3A_938 = arith.constant 0.666666686 : f32
      %add3A_939 = vector.broadcast %add3A_938 : f32 to vector<16xf32>
      %add3A_940 = arith.addf %add3A_939, %mul3A_937 : vector<16xf32>
      %mul3A_941 = arith.mulf %mul3A_930, %add3A_940 : vector<16xf32>
      %add3A_942 = arith.constant 2.000000e+00 : f32
      %add3A_943 = vector.broadcast %add3A_942 : f32 to vector<16xf32>
      %add3A_944 = arith.addf %add3A_943, %mul3A_941 : vector<16xf32>
      %mul3A_945 = arith.mulf %div3A_929, %add3A_944 : vector<16xf32>
      %convert_element_type3A_946 = arith.sitofp %sub3A_915 : vector<16xi32> to vector<16xf32>
      %mul3A_947 = arith.constant 0.693147182 : f32
      %mul3A_948 = vector.broadcast %mul3A_947 : f32 to vector<16xf32>
      %mul3A_949 = arith.mulf %convert_element_type3A_946, %mul3A_948 : vector<16xf32>
      %add3A_950 = arith.addf %mul3A_949, %mul3A_945 : vector<16xf32>
      %add3A_951 = arith.addf %add3A_950, %max3A_837 : vector<16xf32>
      %jit3A_952 = arith.constant 16 : i32
      %eq3A_953 = arith.constant 0 : i32
      %eq3A_954 = arith.cmpi eq, %jit3A_952, %eq3A_953 : i32
      %jit3A_955 = arith.constant 1 : i32
      %select_n3A_956 = arith.select %eq3A_954, %jit3A_955, %jit3A_952 : i32
      %rem3A_957 = arith.remsi %add3A_773, %select_n3A_956 : i32
      %ne3A_958 = arith.constant 0 : i32
      %ne3A_959 = arith.cmpi ne, %rem3A_957, %ne3A_958 : i32
      %lt3A_960 = arith.constant 0 : i32
      %lt3A_961 = arith.cmpi slt, %rem3A_957, %lt3A_960 : i32
      %lt3A_962 = arith.constant 0 : i32
      %lt3A_963 = arith.cmpi slt, %select_n3A_956, %lt3A_962 : i32
      %ne3A_964 = arith.xori %lt3A_961, %lt3A_963 : i1
      %and3A_965 = arith.andi %ne3A_964, %ne3A_959 : i1
      %add3A_966 = arith.addi %rem3A_957, %select_n3A_956 : i32
      %select_n3A_967 = arith.select %and3A_965, %add3A_966, %rem3A_957 : i32
      %iota3A_968 = tpu.iota {dimensions = array<i32: 0>} : vector<16xi32>
      %eq3A_969 = vector.broadcast %select_n3A_967 : i32 to vector<16xi32>
      %eq3A_970 = arith.cmpi eq, %iota3A_968, %eq3A_969 : vector<16xi32>
      %select_n3A_971 = arith.select %eq3A_970, %add3A_951, %select_n3A_757 : vector<16xi1>, vector<16xf32>
      %eq3A_972 = arith.constant 15 : i32
      %eq3A_973 = arith.cmpi eq, %select_n3A_967, %eq3A_972 : i32
      %convert_element_type3A_974 = arith.extui %eq3A_973 : i1 to i32
      %cond3A_975 = arith.constant 0 : i32
      %cond3A_976 = arith.cmpi ne, %convert_element_type3A_974, %cond3A_975 : i32
      scf.if %cond3A_976 {
        %sub3A_984 = arith.constant 15 : i32
        %sub3A_985 = arith.subi %add3A_773, %sub3A_984 : i32
        %swap3A = arith.index_cast %sub3A_985 : i32 to index
        %swap3A_986 = tpu.vector_load %arg12[%swap3A] {strides = array<i32>} : memref<128xf32, #tpu.memory_space<vmem>>, vector<16xf32>,
        %swap3A_987 = vector.shape_cast %swap3A_986 : vector<16xf32> to vector<16xf32>
        %swap3A_988 = vector.shape_cast %select_n3A_971 : vector<16xf32> to vector<16xf32>
        tpu.vector_store %arg12[%swap3A], %swap3A_988 {strides = array<i32>} : memref<128xf32, #tpu.memory_space<vmem>>, vector<16xf32>,
      } else {
      }
      %add3A_977 = arith.constant 4 : i32
      %add3A_978 = arith.addi %add3A_773, %add3A_977 : i32
      %lt3A_979 = arith.constant 128 : i32
      %lt3A_980 = arith.cmpi slt, %add3A_978, %lt3A_979 : i32
      %convert_element_type3A_981 = arith.extui %lt3A_980 : i1 to i32
      %cond3A_982 = arith.constant 0 : i32
      %cond3A_983 = arith.cmpi ne, %convert_element_type3A_981, %cond3A_982 : i32
      scf.if %cond3A_983 {
        %add3A_984 = arith.constant 4 : i32
        %add3A_985 = arith.addi %add3A_773, %add3A_984 : i32
        %dma_start3A_986 = arith.constant 0 : i32
        %dma_start3A_987 = tpu.memref_slice %arg6[%add3A_985, %dma_start3A_986] : memref<128x128xi32, #tpu.memory_space<vmem>> -> memref<1x128xi32, #tpu.memory_space<vmem>>
        %dma_start3A_988 = tpu.memref_squeeze %dma_start3A_987 : memref<1x128xi32, #tpu.memory_space<vmem>> -> memref<128xi32, #tpu.memory_space<vmem>>
        %dma_start3A_989 = arith.constant 0 : i32
        %dma_start3A_990 = arith.constant 0 : i32
        %dma_start3A_991 = tpu.memref_slice %arg4[%dma_start3A_989, %dma_start3A_990] : memref<128000x32xi32, #tpu.memory_space<hbm>> -> memref<128000x32xi32, #tpu.memory_space<hbm>>
        tpu.enqueue_indirect_dma source(%dma_start3A_991 : memref<128000x32xi32, #tpu.memory_space<hbm>>) target(%arg10 : memref<128x32xi32, #tpu.memory_space<vmem>>) offsets(%dma_start3A_988 : memref<128xi32, #tpu.memory_space<vmem>>) semaphore(%arg16 : memref<!tpu.dma_semaphore, #tpu.memory_space<semaphore_mem>>)
      } else {
      }
      scf.yield %select_n3A_971 : vector<16xf32>
    }
    %scan3A_107 = arith.constant 32 : i32
    "tpu.region"() ({
      %run_scoped3A = tpu.sem_alloc : memref<!tpu.dma_semaphore, #tpu.memory_space<semaphore_mem>>
      %dma_start3A_108 = tpu.memref_slice %arg5[%mul3A_2] : memref<4096xf32, #tpu.memory_space<hbm>> -> memref<128xf32, #tpu.memory_space<hbm>>
      %dma_start3A_109 = tpu.memref_slice %arg5[%mul3A_2] : memref<4096xf32, #tpu.memory_space<hbm>> -> memref<128xf32, #tpu.memory_space<hbm>>
      tpu.enqueue_dma source(%arg12 : memref<128xf32, #tpu.memory_space<vmem>>) target(%dma_start3A_109 : memref<128xf32, #tpu.memory_space<hbm>>) target_semaphore(%run_scoped3A : memref<!tpu.dma_semaphore, #tpu.memory_space<semaphore_mem>>)
      %dma_wait3A = tpu.memref_slice %arg5[%mul3A_2] : memref<4096xf32, #tpu.memory_space<hbm>> -> memref<128xf32, #tpu.memory_space<hbm>>
      %dma_wait3A_110 = tpu.memref_slice %arg5[%mul3A_2] : memref<4096xf32, #tpu.memory_space<hbm>> -> memref<128xf32, #tpu.memory_space<hbm>>
      tpu.wait_dma2 semaphore(%run_scoped3A : memref<!tpu.dma_semaphore, #tpu.memory_space<semaphore_mem>>) src(%arg12 : memref<128xf32, #tpu.memory_space<vmem>>) dst(%dma_wait3A_110 : memref<128xf32, #tpu.memory_space<hbm>>)
      tpu.yield
    }) : () -> ()
    return
  }
}

</mosaic_0001>

<sc_bundles>
// kernel: kernel.3.cloned.1.call-start
scs
__scs_entry_jumppad:
0x0: {  	(pc) =	sbr.rel $0x88, $3  }
0x1: {  	(tag) =	ssettag $0x0;
	lr =	simm.s32 $0x1  }
0x2: {  	[smem:$0x3F9E] =	sst lr;
	_ =	strace $0xD0000000  }
0x3: {  	_ = 	snop  }
0x4: {  	_ = 	snop  }
0x5: {  	_ = 	snop  }
0x6: {  	_ = 	snop  }
0x7: {  	_ = 	snop  }
__scs_overlays_trampoline_lowered:
0x8: {  	[smem:$0x3FAD] =	sst s0  }
0x9: {  	[smem:$0x3FAE] =	sst s1  }
0xa: {  	[smem:$0x3FAF] =	sst s2  }
0xb: {  	[smem:$0x3FB0] =	sst s3  }
0xc: {  	[smem:$0x3FB1] =	sst s4  }
0xd: {  	[smem:$0x3FB2] =	sst s5  }
0xe: {  	[smem:$0x3FB3] =	sst s6  }
0xf: {  	[smem:$0x3FB4] =	sst s7  }
0x10: {  	[smem:$0x3FB5] =	sst s8  }
0x11: {  	[smem:$0x3FB6] =	sst s9;
	s0 =	simm.s32 @!p0 $0x0  }
0x12: {  	s1 =	sld [smem:$0x3F9C];
	s0 =	simm.s32 @p0 $0x1  }
0x13: {  	[smem:$0x3FB7] =	sst s0;
	s0 =	simm.s32 @!p1 $0x0  }
0x14: {  	s2 =	sld [smem:$0x3F9B];
	s0 =	simm.s32 @p1 $0x1  }
0x15: {  	[smem:$0x3FB8] =	sst s0;
	s0 =	simm.s32 @!p2 $0x0  }
0x16: {  	s3 =	sld [smem:$0x3FDB];
	s0 =	simm.s32 @p2 $0x1  }
0x17: {  	s4 =	simm.s32 $0x1BF5;
	[smem:$0x3FBA] =	sst s0  }
0x18: {  	s0 =	sld [smem:$0x3F9D];
	_ =	swait.ge [sflag:s4], $0x0  }
0x19: {  	s7 =	sld [smem:$0x3F9E]  }
0x1a: {  	s8 =	sadd.s32 $0xFFFFE003, lr  }
0x1b: {  	s9 =	sadd.s32 $0xFFFFFEF7, lr;
	s5 =	simm.s32 $0xFFFFFFFF;
	p2 =	slt.u32 s8, $0xFFFFF086  }
0x1c: {  	p1 =	slt.u32 s9, $0xF7A;
	s5 =	simm.s32 @!p2 $0x0  }
0x1d: {  	s5 =	simm.s32 @p1 $0x1;
	p0 =	seq.s32 s7, s2  }
0x1e: {  	s7 =	smul.u32 @!p0 $0xF7A, s2;
	p2 =	seq.s32 @!p0 s5, $0x0  }
0x1f: {  	s9 =	smul.u32 $0xF7A, s1;
	s8 =	simm.s32 @!p0 $0x1BF5;
	p2 =	por !p2, p0  }
0x20: {  	[sflag:s8] =	ssyncset.s32 @!p0 $0xFFFFF086;
	s6 =	sadd.s32 @!p0 s3, s7;
	s7 =	simm.s32 @!p0 $0x108  }
0x21: {  	s3 =	sadd.s32 s3, s9;
	s6 =	sadd.s32 @!p0 $0x88, s6;
	s7 =	simm.s32 @p2 $0x1082  }
0x22: {  	[simem:s7], [sflag:s8] =	dma.local @!p0 [hbm:s6], $0xF7A  }
0x23: {  	s9 =	sor.u32 $0xD0000000, s2;
	s6 =	simm.s32 $0x108;
	_ =	swait.ge @!p0 [sflag:s8], $0x0  }
0x24: {  	s3 =	sadd.s32 $0x88, s3;
	s6 =	simm.s32 @!p1 $0x1082;
	[sflag:s4] =	ssyncset.s32 $0xFFFFF086  }
0x25: {  	[simem:s6], [sflag:s4] =	dma.local [hbm:s3], $0xF7A  }
0x26: {  	[smem:$0x3F9E] =	sst s1;
	(tag) =	ssettag s2;
	_ =	strace s9  }
0x27: {  	s1 =	sld [smem:$0x3FAE]  }
0x28: {  	s2 =	sld [smem:$0x3FAF]  }
0x29: {  	s4 =	sld [smem:$0x3FB1]  }
0x2a: {  	p0 =	seq.s32 s5, $0x0;
	s5 =	sld [smem:$0x3FB2]  }
0x2b: {  	s6 =	sld [smem:$0x3FB3]  }
0x2c: {  	s7 =	sld [smem:$0x3FB4]  }
0x2d: {  	s3 =	simm.s32 $0x108;
	s8 =	sld [smem:$0x3FB5]  }
0x2e: {  	s3 =	simm.s32 @!p0 $0x1082;
	s9 =	sld [smem:$0x3FB6]  }
0x2f: {  	lr =	sadd.s32 s0, s3;
	s0 =	sld [smem:$0x3FAD]  }
0x30: {  	s3 =	sld [smem:$0x3FB0]  }
0x31: {  	[smem:$0x3FB9] =	sst s10  }
0x32: {  	s10 =	sld [smem:$0x3FB7];
	_ =	sdelay $0x3  }
0x33: {  	p0 =	seq.s32 s10, $0x1;
	s10 =	sld [smem:$0x3FB9];
	_ =	sdelay $0x3  }
0x34: {  	[smem:$0x3FB9] =	sst s10  }
0x35: {  	s10 =	sld [smem:$0x3FB8];
	_ =	sdelay $0x3  }
0x36: {  	p1 =	seq.s32 s10, $0x1;
	s10 =	sld [smem:$0x3FB9];
	_ =	sdelay $0x3  }
0x37: {  	[smem:$0x3FB9] =	sst s10  }
0x38: {  	s10 =	sld [smem:$0x3FBA]  }
0x39: {  	_ = 	snop;
	(pc) =	sbr.ind lr, $3  }
0x3a: {  	_ = 	snop  }
0x3b: {  	_ = 	snop  }
0x3c: {  	p2 =	seq.s32 s10, $0x1;
	s10 =	sld [smem:$0x3FB9]  }
0x3d: {  	_ =	shalt  }
0x3e: {  	_ =	shalt  }
0x3f: {  	_ =	shalt  }
0x40: {  	_ =	shalt  }
0x41: {  	_ =	shalt  }
0x42: {  	_ =	shalt  }
0x43: {  	_ =	shalt  }
0x44: {  	_ =	shalt  }
0x45: {  	_ =	shalt  }
0x46: {  	_ =	shalt  }
0x47: {  	_ =	shalt  }
0x48: {  	_ =	shalt  }
0x49: {  	_ =	shalt  }
0x4a: {  	_ =	shalt  }
0x4b: {  	_ =	shalt  }
0x4c: {  	_ =	shalt  }
0x4d: {  	_ =	shalt  }
0x4e: {  	_ =	shalt  }
0x4f: {  	_ =	shalt  }
0x50: {  	_ =	shalt  }
0x51: {  	_ =	shalt  }
0x52: {  	_ =	shalt  }
0x53: {  	_ =	shalt  }
0x54: {  	_ =	shalt  }
0x55: {  	_ =	shalt  }
0x56: {  	_ =	shalt  }
0x57: {  	_ =	shalt  }
0x58: {  	_ =	shalt  }
0x59: {  	_ =	shalt  }
0x5a: {  	_ =	shalt  }
0x5b: {  	_ =	shalt  }
0x5c: {  	_ =	shalt  }
0x5d: {  	_ =	shalt  }
0x5e: {  	_ =	shalt  }
0x5f: {  	_ =	shalt  }
0x60: {  	_ =	shalt  }
0x61: {  	_ =	shalt  }
0x62: {  	_ =	shalt  }
0x63: {  	_ =	shalt  }
0x64: {  	_ =	shalt  }
0x65: {  	_ =	shalt  }
0x66: {  	_ =	shalt  }
0x67: {  	_ =	shalt  }
0x68: {  	_ =	shalt  }
0x69: {  	_ =	shalt  }
0x6a: {  	_ =	shalt  }
0x6b: {  	_ =	shalt  }
0x6c: {  	_ =	shalt  }
0x6d: {  	_ =	shalt  }
0x6e: {  	_ =	shalt  }
0x6f: {  	_ =	shalt  }
0x70: {  	_ =	shalt  }
0x71: {  	_ =	shalt  }
0x72: {  	_ =	shalt  }
0x73: {  	_ =	shalt  }
0x74: {  	_ =	shalt  }
0x75: {  	_ =	shalt  }
0x76: {  	_ =	shalt  }
0x77: {  	_ =	shalt  }
0x78: {  	_ =	shalt  }
0x79: {  	_ =	shalt  }
0x7a: {  	_ =	shalt  }
0x7b: {  	_ =	shalt  }
0x7c: {  	_ =	shalt  }
0x7d: {  	_ =	shalt  }
0x7e: {  	_ =	shalt  }
0x7f: {  	_ =	shalt  }
0x80: {  	_ =	shalt  }
0x81: {  	_ =	shalt  }
0x82: {  	_ =	shalt  }
0x83: {  	_ =	shalt  }
0x84: {  	_ =	shalt  }
0x85: {  	_ =	shalt  }
0x86: {  	_ =	shalt  }
0x87: {  	_ =	shalt  }
.Lfunc_end0:
.L_simem_size_0:
called_computation_lowered:
.L_overlay_start_0:
0x88: {  	s2 =	sld [smem:$0x3FD9]  }
0x89: {  	s3 =	sld [smem:$0x3FFE];
	_ =	sdelay $0x1  }
0x8a: {  	s1 =	srdreg.scid  }
0x8b: {  	s0 =	sand.u32 $0x1, s1  }
0x8c: {  	s17 =	sshll.u32 s0, $0xA;
	s2 =	sadd.s32 s3, s2  }
0x8d: {  	s2 =	sadd.s32 s2, s17  }
0x8e: {  	[smem:$0x3FC5] =	sst s2  }
0x8f: {  	_ = 	snop  }
0x90: {  	s2 =	sld [smem:$0x3FC9]  }
0x91: {  	s18 =	sld [smem:$0x3FC8]  }
0x92: {  	s4 =	sld [smem:$0x3FD0];
	(tm) =	ssettm $0x1  }
0x93: {  	s5 =	sld [smem:$0x3FFB];
	_ =	sdelay $0x3  }
0x94: {  	_ =	strace s5  }
0x95: {  	s5 =	sld [smem:$0x3FFC];
	_ =	sdelay $0x3  }
0x96: {  	_ =	strace s5  }
0x97: {  	s5 =	sld [smem:$0x3FFD];
	_ =	sdelay $0x3  }
0x98: {  	_ =	strace s5  }
0x99: {  	_ =	strace $0x8FFFFFFF  }
0x9a: {  	s19 =	sld [smem:$0x3FDB];
	_ =	sdelay $0x1  }
0x9b: {  	s6 =	simm.s32 $_scs_section_size  }
0x9c: {  	s7 =	simm.s32 $_size__tile_overlayer_lowered;
	s8 =	simm.s32 $_tile_overlayer_lowered  }
0x9d: {  	s22 =	simm.s32 $0x1BFF;
	s21 =	sshll.u32 s8, $0x1;
	s5 =	sadd.s32 s6, s19  }
0x9e: {  	s9 =	simm.s32 $0x0;
	s20 =	sshll.u32 s7, $0x1;
	s7 =	sadd.s32 s21, s5  }
0x9f: {  	[timem:s9], [sflag:s22] =	dma.local [hbm:s7], s20  }
0xa0: {  	_ =	swait.ge [sflag:s22], s20  }
0xa1: {  	s6 =	ssub.s32 $0x0, s20;
	[sflag:s22] =	ssyncset.done $0x0  }
0xa2: {  	[sflag:s22] =	ssyncadd.s32 s6;
	_ =	sdelay $0x1  }
0xa3: {  	s23 =	simm.s32 $0x1B8B  }
0xa4: {  	_ =	swait.ge [sflag:s23], $0x1  }
0xa5: {  	[sflag:s23] =	ssyncset.done $0x0  }
0xa6: {  	s25 =	simm.s32 $0x1B8E;
	s24 =	sld [smem:$0x3FFE];
	[sflag:s23] =	ssyncadd.s32 $0xFFFFFFFF  }
0xa7: {  	s26 =	simm.s32 $execute0_lowered;
	[smem:$0x3FD2] =	sst s25  }
0xa8: {  	s7 =	sshll.u32 s26, $0x1;
	_ =	strace $0x80000046;
	[dreg:$0x1] =	wrdreg $0xFFFFFFFF  }
0xa9: {  	s28 =	simm.s32 $_size_execute0_lowered;
	s5 =	sadd.s32 s5, s7;
	[dreg:$0x0] =	wrdreg $0x0  }
0xaa: {  	s7 =	sshll.u32 s28, $0x1;
	[dreg:$0x2] =	wrdreg s5  }
0xab: {  	[dreg:$0x3] =	wrdreg s7  }
0xac: {  	[dreg:$0x4] =	wrdreg $0xC0  }
0xad: {  	_ =	task [dreg:s9], $0x5FFFF  }
0xae: {  	[dreg:$0x1] =	wrdreg $0xFFFFFFFF  }
0xaf: {  	[dreg:$0x0] =	wrdreg $0x60  }
0xb0: {  	[dreg:$0x2] =	wrdreg s2  }
0xb1: {  	[dreg:$0x3] =	wrdreg s18  }
0xb2: {  	[dreg:$0x4] =	wrdreg s24  }
0xb3: {  	[dreg:$0x5] =	wrdreg s4  }
0xb4: {  	[dreg:$0x6] =	wrdreg $0x9  }
0xb5: {  	_ =	task.clear_ibuf [dreg:s9], $0x7FFFF;
	_ =	strace $0x90000046  }
0xb6: {  	s29 =	simm.s32 $0x9;
	_ =	strace $0x80000048  }
0xb7: {  	_ =	swait.ge [sflag:s29], $0x1  }
0xb8: {  	[sflag:s29] =	ssyncadd.s32 $0xFFFFFFFF  }
0xb9: {  	_ =	strace $0x90000048  }
0xba: {  	_ =	sfence  }
0xbb: {  	s30 =	sld [smem:$0x0];
	_ =	sdelay $0x2  }
0xbc: {  	s31 =	sshll.u32 s1, $0xD;
	s1 =	sshrl.u32 s1, $0x2  }
0xbd: {  	s3 =	sand.u32 $0x4000, s31;
	s1 =	sadd.s32 s1, s30  }
0xbe: {  	s0 =	sor.u32 s3, s0;
	s1 =	sshll.u32 s1, $0x11  }
0xbf: {  	s0 =	sor.u32 s1, s0  }
0xc0: {  	s0 =	sadd.s32 $0x8F2B, s0  }
0xc1: {  	[sflag:s0] =	ssyncadd.remote.s32 $0x1  }
0xc2: {  	_ =	sfence.sel $0xFFFF  }
0xc3: {  	[dreg:$0x0] =	wrdreg $0xFFFFFFFF;
	(pc) =	sbr.abs _section_cstart, $3  }
0xc4: {  	[dreg:$0x1] =	wrdreg $0xFFFFFFFF  }
0xc5: {  	_ =	task.clear_ibuf [dreg:s9], $0x2FFFF;
	_ =	strace $0x9FFFFFFF  }
0xc6: {  	(tm) =	ssettm $0x7FFFFFFF  }
0xc7: {  	_ =	shalt  }
tec
execute0_lowered:
.L_overlay_start_1:
0x0: {  	(tag) =	ssettag $0x1  }
0x1: {  	s5 =	rddreg [dreg:$0x0]  }
0x2: {  	s1 =	rddreg [dreg:$0x1]  }
0x3: {  	v0 =	vlaneseq.u32;
	s3 =	rddreg [dreg:$0x2];
	v3 =	vimm.s32 $0xFEDCBA98  }
0x4: {  	s6 =	rddreg [dreg:$0x3];
	v7 =	vimm.s32 $0x76543210;
	v9 =	vimm.s32 $0x32107654;
	v10 =	vimm.s32 $0xDCFE98BA  }
0x5: {  	s0 =	rddreg [dreg:$0x4];
	s2 =	simm.s32 $0x0;
	v11 =	vimm.s32 $0x54761032;
	v12 =	vimm.s32 $0xEFCDAB89;
	v13 =	vimm.s32 $0x67452301  }
0x6: {  	s7 =	srdreg.scid;
	s4 =	stileid.u32;
	s11 =	simm.s32 $0x4000;
	v1 =	vmul.u32 $0x3E8, v0;
	v6 =	vunpack.c.l.s4.s8 v3;
	v7 =	vunpack.c.l.s4.s8 v7  }
0x7: {  	s12 =	simm.s32 $0x5000;
	s13 =	simm.s32 $0x100;
	s14 =	simm.s32 $0x6000;
	v9 =	vunpack.c.l.s4.s8 v9;
	v10 =	vunpack.c.l.s4.s8 v10;
	v11 =	vunpack.c.l.s4.s8 v11  }
0x8: {  	s15 =	simm.s32 $0x180;
	s16 =	simm.s32 $0x7000;
	s17 =	simm.s32 $0x1;
	v12 =	vunpack.c.l.s4.s8 v12;
	v13 =	vunpack.c.l.s4.s8 v13;
	v2 =	vadd.s32 $0x3E80, v1  }
0x9: {  	s18 =	simm.s32 $0x2;
	s19 =	simm.s32 $0x3;
	s20 =	simm.s32 $0x4;
	v3 =	vadd.s32 $0x7D00, v1;
	v8 =	vunpack.c.0.s8.s32 v6;
	v6 =	vimm.s32 $0xBA98FEDC  }
0xa: {  	s21 =	simm.s32 $0x8040;
	s22 =	simm.s32 $0x0;
	[smem:$0x7FF] =	sst s2;
	v4 =	vadd.s32 $0xBB80, v1;
	v10 =	vunpack.c.0.s8.s32 v10;
	v6 =	vunpack.c.l.s4.s8 v6  }
0xb: {  	s3 =	sadd.s32 $0x1F4400, s3;
	s7 =	sand.u32 $0x1, s7;
	s9 =	sshll.u32 s4, $0x8;
	v11 =	vunpack.c.0.s8.s32 v11;
	v12 =	vunpack.c.0.s8.s32 v12;
	v13 =	vunpack.c.0.s8.s32 v13  }
.Ltmp0:
0xc: {  	s8 =	ssub.s32 $0x2, s7;
	s7 =	sshll.u32 s7, $0x7;
	v5 =	vadd.s32 $0xFA00, v1;
	v9 =	vunpack.c.0.s8.s32 v9;
	v6 =	vunpack.c.0.s8.s32 v6;
	(pc) =	sbr.rel .LBB2_1-.Ltmp0, $4  }
0xd: {  	_ =	strace $0x80000047;
	s10 =	sshrl.u32 s8, $0x1;
	s7 =	sor.u32 s7, s9;
	v15 =	vand.u32 $0xF, v8;
	v11 =	vcombine.low v11, v10;
	v12 =	vcombine.low v13, v12  }
0xe: {  	s8 =	ssub.s32 s8, s10;
	s9 =	sshll.u32 s7, $0x4;
	s7 =	sshrl.u32 s7, $0x3;
	v8 =	vadd.s32 $0x1B580, v1;
	v14 =	vcombine.low v9, v6;
	v9 =	vunpack.c.0.s8.s32 v7  }
0xf: {  	s10 =	simm.s32 $0x80;
	s5 =	sadd.s32 s5, s9;
	s6 =	sadd.s32 s6, s7;
	v11 =	vand.u32 $0xF, v11;
	v12 =	vand.u32 $0xF, v12;
	v6 =	vadd.s32 $0x13880, v1  }
0x10: {  	s7 =	smax.u32 s8, $0x1;
	s8 =	simm.s32 $0x5;
	s9 =	simm.s32 $0x8000;
	v7 =	vadd.s32 $0x17700, v1;
	v9 =	vcombine.low v15, v9;
	v10 =	vand.u32 $0xF, v14  }
.LBB2_10:
0x11: {  	s22 =	sadd.s32 $0x1, s22  }
0x12: {  	p0 =	sne.s32 s22, s7  }
.Ltmp1:
0x13: {  	_ = 	snop;
	(pc) =	sbr.rel @!p0 .LBB2_11-.Ltmp1, $4  }
0x14: {  	[hbm4b:s6+s2] =	stream.linear.scatter [tilespmem:s21], [sflag:$0x5], $0x80, $0x38;
	[tilespmem:$0x80C0] =	vst v63  }
0x15: {  	_ =	swait.ge [sflag:s8], $0x80  }
0x16: {  	[sflag:s8] =	ssyncset.done $0x0  }
0x17: {  	[sflag:s8] =	ssyncadd.s32 $0xFFFFFF80  }
.LBB2_1:
0x18: {  	[tilespmem:s2], [sflag:$0x5] =	stream.linear.gather [hbm4b:s5+s2], $0x4000, $0x38;
	[tilespmem:$0x80C0] =	vst v63  }
0x19: {  	_ =	swait.ge [sflag:s8], $0x4000  }
0x1a: {  	[sflag:s8] =	ssyncset.done $0x0  }
0x1b: {  	[sflag:s8] =	ssyncadd.s32 $0xFFFFC000  }
0x1c: {  	[tilespmem:s9], [sflag:$0x5] =	stream.linear.gather [hbm4b:s1+s2], $0x40, $0x38;
	[tilespmem:$0x80C0] =	vst v63  }
0x1d: {  	_ =	swait.ge [sflag:s8], $0x40  }
0x1e: {  	[sflag:s8] =	ssyncset.done $0x0  }
0x1f: {  	s23 =	simm.s32 $0x0;
	[sflag:s8] =	ssyncadd.s32 $0xFFFFFFC0  }
0x20: {  	v15 =	vld [tilespmem:s23+$0x0]  }
0x21: {  	v17 =	vld [tilespmem:s23+$0x10]  }
0x22: {  	v16 =	vld [tilespmem:s23+$0x20]  }
0x23: {  	v14 =	vld [tilespmem:s23+$0x30]  }
0x24: {  	v13 =	vld [tilespmem:s23+$0x40]  }
0x25: {  	v18 =	vadd.s32 v1, v15;
	v15 =	vld [tilespmem:s23+$0x50]  }
0x26: {  	s24 =	simm.s32 $0x200;
	[tilespmem:s23+$0x0] =	vst v18;
	v18 =	vadd.s32 v2, v17;
	v17 =	vld [tilespmem:s23+$0x60]  }
.LBB2_2:
0x27: {  	s25 =	sshra.s32 s24, $0x2;
	p0 =	sne.s32 s24, $0xFE00;
	[tilespmem:s23+$0x10] =	vst v18;
	v16 =	vadd.s32 v3, v16;
	v18 =	vld [tilespmem:s23+$0x70]  }
0x28: {  	v19 =	vld [tilespmem:s25+$0x0];
	[tilespmem:s23+$0x20] =	vst v16;
	v14 =	vadd.s32 v4, v14  }
0x29: {  	v20 =	vld [tilespmem:s25+$0x10];
	[tilespmem:s23+$0x30] =	vst v14;
	v13 =	vadd.s32 v5, v13  }
.Ltmp2:
0x2a: {  	v16 =	vld [tilespmem:s25+$0x20];
	[tilespmem:s23+$0x40] =	vst v13;
	v13 =	vadd.s32 v6, v15;
	(pc) =	sbr.rel @p0 .LBB2_2-.Ltmp2, $4  }
0x2b: {  	v14 =	vld [tilespmem:s25+$0x30];
	[tilespmem:s23+$0x50] =	vst v13;
	v15 =	vadd.s32 v7, v17  }
0x2c: {  	v13 =	vld [tilespmem:s25+$0x40];
	[tilespmem:s23+$0x60] =	vst v15;
	v17 =	vadd.s32 v8, v18  }
0x2d: {  	v18 =	vadd.s32 v1, v19;
	v15 =	vld [tilespmem:s25+$0x50];
	[tilespmem:s23+$0x70] =	vst v17;
	s23 =	smov.u32 s25  }
0x2e: {  	s24 =	sadd.s32 $0x200, s24;
	[tilespmem:s23+$0x0] =	vst v18;
	v18 =	vadd.s32 v2, v20;
	v17 =	vld [tilespmem:s23+$0x60]  }
0x2f: {  	[tilespmem:s23+$0x10] =	vst v18;
	v16 =	vadd.s32 v3, v16;
	v18 =	vld [tilespmem:s23+$0x70]  }
0x30: {  	[tilespmem:s23+$0x20] =	vst v16;
	v14 =	vadd.s32 v4, v14  }
0x31: {  	[tilespmem:s23+$0x30] =	vst v14;
	v13 =	vadd.s32 v5, v13  }
0x32: {  	[tilespmem:s23+$0x40] =	vst v13;
	v13 =	vadd.s32 v6, v15  }
0x33: {  	[tilespmem:s23+$0x50] =	vst v13;
	v13 =	vadd.s32 v7, v17  }
0x34: {  	[tilespmem:s23+$0x60] =	vst v13;
	v13 =	vadd.s32 v8, v18  }
0x35: {  	[tilespmem:s23+$0x70] =	vst v13  }
0x36: {  	v13 =	vld [tilespmem:$0x8000]  }
0x37: {  	v14 =	vld [tilespmem:$0x8020]  }
0x38: {  	s23 =	simm.s32 $0x0;
	v15 =	vld [tilespmem:$0x8010]  }
0x39: {  	v16 =	vld [tilespmem:$0x8030];
	[tilespmem:s11], [sflag:$0x1] =	stream.indirect.gather [hbm4b:s3+s10], $0x20, s23, s10, $0xb8  }
0x3a: {  	_ = 	snop  }
0x3b: {  	[tilespmem:s12], [sflag:$0x2] =	stream.indirect.gather [hbm4b:s3+s10], $0x20, s10, s10, $0xb8;
	[tilespmem:$0x80C0] =	vst v63  }
0x3c: {  	_ = 	snop  }
0x3d: {  	[tilespmem:s14], [sflag:$0x3] =	stream.indirect.gather [hbm4b:s3+s10], $0x20, s13, s10, $0xb8;
	[tilespmem:$0x80C0] =	vst v63  }
0x3e: {  	_ = 	snop  }
0x3f: {  	v17 =	vimm.f32 $0.0e+00;
	v18 =	vimm.f32 $0.0e+00;
	[tilespmem:s16], [sflag:$0x4] =	stream.indirect.gather [hbm4b:s3+s10], $0x20, s15, s10, $0xb8;
	[tilespmem:$0x80C0] =	vst v63  }
.LBB2_4:
0x40: {  	_ =	swait.ge [sflag:s17], $0x1000  }
0x41: {  	[sflag:s17] =	ssyncset.done $0x0  }
0x42: {  	[sflag:s17] =	ssyncadd.s32 $0xFFFFF000  }
0x43: {  	_ =	swait.ge [sflag:s18], $0x1000  }
0x44: {  	[sflag:s18] =	ssyncset.done $0x0  }
0x45: {  	s24 =	simm.s32 $0x0;
	[sflag:s18] =	ssyncadd.s32 $0xFFFFF000  }
0x46: {  	v19 =	vld [tilespmem:s24+$0x4060]  }
0x47: {  	v21 =	vld [tilespmem:s24+$0x5060]  }
0x48: {  	v22 =	vld [tilespmem:s24+$0x4070]  }
0x49: {  	v23 =	vld [tilespmem:s24+$0x4040]  }
0x4a: {  	v26 =	vld [tilespmem:s24+$0x5040]  }
0x4b: {  	v30 =	vld [tilespmem:s24+$0x4050]  }
0x4c: {  	v31 =	vld [tilespmem:s24+$0x4020]  }
0x4d: {  	v32 =	vld [tilespmem:s24+$0x4000]  }
0x4e: {  	v33 =	vld [tilespmem:s24+$0x5000];
	v28 =	vshll.u32 v19, $0x10;
	v29 =	vand.u32 $0xFFFF0000, v19;
	v20 =	vshll.u32 v21, $0x10  }
0x4f: {  	v39 =	vld [tilespmem:s24+$0x5020];
	v21 =	vand.u32 $0xFFFF0000, v21;
	v19 =	vshll.u32 v22, $0x10;
	v34 =	vshll.u32 v23, $0x10  }
0x50: {  	v35 =	vand.u32 $0xFFFF0000, v23;
	v24 =	vand.u32 $0xFFFF0000, v22;
	v25 =	vshll.u32 v26, $0x10  }
0x51: {  	v26 =	vand.u32 $0xFFFF0000, v26;
	v27 =	vshll.u32 v30, $0x10;
	v22 =	vshll.u32 v31, $0x10  }
0x52: {  	v23 =	vand.u32 $0xFFFF0000, v31;
	v30 =	vand.u32 $0xFFFF0000, v30;
	v31 =	vshll.u32 v32, $0x10  }
0x53: {  	v40 =	vld [tilespmem:s24+$0x4030];
	v32 =	vand.u32 $0xFFFF0000, v32;
	v36 =	vshll.u32 v33, $0x10;
	v33 =	vand.u32 $0xFFFF0000, v33  }
0x54: {  	v38 =	vshll.u32 v39, $0x10;
	v31 =	vadd.f32 v31, v17;
	v32 =	vadd.f32 v32, v17  }
0x55: {  	v41 =	vld [tilespmem:s24+$0x4010];
	v39 =	vand.u32 $0xFFFF0000, v39;
	v36 =	vadd.f32 v36, v17;
	v37 =	vadd.f32 v33, v17  }
0x56: {  	v33 =	vimm.f32 $0.0e+00;
	v42 =	vadd.f32 v22, v31;
	v43 =	vadd.f32 v23, v32  }
0x57: {  	s25 =	simm.s32 $0x200;
	v32 =	vimm.f32 $0.0e+00;
	v31 =	vld [tilespmem:s24+$0x5010];
	v22 =	vimm.f32 $0.0e+00;
	v23 =	vimm.f32 $0.0e+00  }
.LBB2_5:
0x58: {  	p0 =	sne.s32 s25, $0x3E00;
	v36 =	vadd.f32 v38, v36;
	v37 =	vadd.f32 v39, v37;
	v38 =	vshll.u32 v40, $0x10  }
0x59: {  	v39 =	vand.u32 $0xFFFF0000, v40;
	v40 =	vld [tilespmem:s24+$0x5030];
	v34 =	vadd.f32 v34, v42;
	v35 =	vadd.f32 v35, v43  }
0x5a: {  	v42 =	vshll.u32 v41, $0x10;
	v25 =	vadd.f32 v25, v36;
	v26 =	vadd.f32 v26, v37  }
0x5b: {  	s26 =	sshra.s32 s25, $0x2;
	v36 =	vand.u32 $0xFFFF0000, v41;
	v37 =	vld [tilespmem:s24+$0x5050];
	v41 =	vadd.f32 v28, v34;
	v43 =	vadd.f32 v29, v35  }
0x5c: {  	v29 =	vld [tilespmem:s26+$0x4060];
	v28 =	vshll.u32 v31, $0x10;
	v44 =	vadd.f32 v20, v25;
	v45 =	vadd.f32 v21, v26  }
0x5d: {  	v20 =	vand.u32 $0xFFFF0000, v31;
	v21 =	vadd.f32 v42, v32;
	v25 =	vadd.f32 v36, v33;
	v26 =	vld [tilespmem:s24+$0x5070];
	s24 =	smov.u32 s26  }
0x5e: {  	v22 =	vadd.f32 v28, v22;
	v20 =	vadd.f32 v20, v23;
	v31 =	vld [tilespmem:s24+$0x5060];
	v23 =	vshll.u32 v40, $0x10  }
0x5f: {  	v28 =	vand.u32 $0xFFFF0000, v40;
	v21 =	vadd.f32 v38, v21;
	v25 =	vadd.f32 v39, v25;
	v36 =	vld [tilespmem:s24+$0x4070]  }
0x60: {  	v22 =	vadd.f32 v23, v22;
	v20 =	vadd.f32 v28, v20;
	v35 =	vld [tilespmem:s24+$0x4040];
	v23 =	vshll.u32 v37, $0x10  }
0x61: {  	v28 =	vand.u32 $0xFFFF0000, v37;
	v21 =	vadd.f32 v27, v21;
	v25 =	vadd.f32 v30, v25;
	v38 =	vld [tilespmem:s24+$0x5040]  }
0x62: {  	v22 =	vadd.f32 v23, v22;
	v20 =	vadd.f32 v28, v20;
	v30 =	vld [tilespmem:s24+$0x4050];
	v23 =	vshll.u32 v26, $0x10  }
0x63: {  	v26 =	vand.u32 $0xFFFF0000, v26;
	v32 =	vadd.f32 v19, v21;
	v33 =	vadd.f32 v24, v25;
	v37 =	vld [tilespmem:s24+$0x4020]  }
0x64: {  	v22 =	vadd.f32 v23, v22;
	v23 =	vadd.f32 v26, v20;
	v39 =	vld [tilespmem:s24+$0x4000]  }
0x65: {  	v28 =	vshll.u32 v29, $0x10;
	v29 =	vand.u32 $0xFFFF0000, v29;
	v42 =	vld [tilespmem:s24+$0x5000]  }
0x66: {  	v20 =	vshll.u32 v31, $0x10;
	v21 =	vand.u32 $0xFFFF0000, v31;
	v19 =	vshll.u32 v36, $0x10  }
0x67: {  	v24 =	vand.u32 $0xFFFF0000, v36;
	v34 =	vshll.u32 v35, $0x10;
	v35 =	vand.u32 $0xFFFF0000, v35;
	v46 =	vld [tilespmem:s24+$0x5020]  }
0x68: {  	v25 =	vshll.u32 v38, $0x10;
	v26 =	vand.u32 $0xFFFF0000, v38;
	v27 =	vshll.u32 v30, $0x10  }
.Ltmp3:
0x69: {  	v30 =	vand.u32 $0xFFFF0000, v30;
	v47 =	vshll.u32 v37, $0x10;
	v48 =	vand.u32 $0xFFFF0000, v37;
	v40 =	vld [tilespmem:s24+$0x4030];
	(pc) =	sbr.rel @p0 .LBB2_5-.Ltmp3, $4  }
0x6a: {  	v31 =	vshll.u32 v39, $0x10;
	v36 =	vand.u32 $0xFFFF0000, v39;
	v37 =	vshll.u32 v42, $0x10  }
0x6b: {  	v38 =	vand.u32 $0xFFFF0000, v42;
	v42 =	vadd.f32 v31, v41;
	v43 =	vadd.f32 v36, v43;
	v41 =	vld [tilespmem:s24+$0x4010]  }
0x6c: {  	v36 =	vadd.f32 v37, v44;
	v37 =	vadd.f32 v38, v45;
	v38 =	vshll.u32 v46, $0x10  }
0x6d: {  	s25 =	sadd.s32 $0x200, s25;
	v39 =	vand.u32 $0xFFFF0000, v46;
	v42 =	vadd.f32 v47, v42;
	v43 =	vadd.f32 v48, v43;
	v31 =	vld [tilespmem:s24+$0x5010]  }
0x6e: {  	_ =	sdelay $0x1  }
0x6f: {  	v44 =	vshll.u32 v41, $0x10;
	v54 =	vand.u32 $0xFFFF0000, v41  }
0x70: {  	v32 =	vadd.f32 v44, v32;
	v33 =	vadd.f32 v54, v33  }
0x71: {  	v55 =	vshll.u32 v40, $0x10;
	v56 =	vand.u32 $0xFFFF0000, v40  }
0x72: {  	v32 =	vadd.f32 v55, v32;
	v33 =	vadd.f32 v56, v33  }
0x73: {  	v34 =	vadd.f32 v34, v42;
	v35 =	vadd.f32 v35, v43  }
0x74: {  	v27 =	vadd.f32 v27, v32;
	v30 =	vadd.f32 v30, v33  }
0x75: {  	v28 =	vadd.f32 v28, v34;
	v29 =	vadd.f32 v29, v35  }
0x76: {  	v19 =	vadd.f32 v19, v27;
	v24 =	vadd.f32 v24, v30  }
0x77: {  	v27 =	vadd.f32 v28, v13;
	v28 =	vadd.f32 v29, v14  }
0x78: {  	v29 =	vadd.f32 v19, v15;
	v24 =	vadd.f32 v24, v16;
	_ =	sdelay $0x1  }
0x79: {  	v19 =	vmax.f32 v27, v28;
	v30 =	vmax.f32 v29, v24  }
0x7a: {  	v19 =	vmax.f32 v19, v30  }
0x7b: {  	v30 =	vperm.xlane v19, v9;
	_ =	sdelay $0x1  }
0x7c: {  	v19 =	vmax.f32 v19, v30  }
0x7d: {  	v30 =	vperm.xlane v19, v10;
	_ =	sdelay $0x1  }
0x7e: {  	v19 =	vmax.f32 v19, v30  }
0x7f: {  	v30 =	vperm.xlane v19, v11;
	_ =	sdelay $0x1  }
0x80: {  	v19 =	vmax.f32 v19, v30  }
0x81: {  	v30 =	vperm.xlane v19, v12;
	_ =	sdelay $0x1  }
0x82: {  	v19 =	vmax.f32 v19, v30  }
0x83: {  	v27 =	vsub.f32 v27, v19  }
0x84: {  	v28 =	vsub.f32 v28, v19  }
0x85: {  	v27 =	vmul.f32 $1.442695020e+00, v27  }
0x86: {  	v29 =	vsub.f32 v29, v19;
	v28 =	vmul.f32 $1.442695020e+00, v28  }
0x87: {  	v24 =	vsub.f32 v24, v19;
	(erf) = vpow2.f32 v27  }
0x88: {  	v27 =	vmul.f32 $1.442695020e+00, v29;
	(erf) = vpow2.f32 v28  }
0x89: {  	v24 =	vmul.f32 $1.442695020e+00, v24  }
0x8a: {  	v28 =	vadd.f32 v39, v37;
	(erf) = vpow2.f32 v27;
	v27 =	vadd.f32 v38, v36;
	_ =	sdelay $0x1  }
0x8b: {  	(erf) = vpow2.f32 v24;
	v24 =	vld [tilespmem:s24+$0x5030];
	v26 =	vadd.f32 v26, v28;
	v25 =	vadd.f32 v25, v27;
	_ =	sdelay $0x1  }
0x8c: {  	v20 =	vadd.f32 v20, v25;
	v25 =	vand.u32 $0xFFFF0000, v31  }
0x8d: {  	v28 =	vshll.u32 v31, $0x10  }
0x8e: {  	v27 =	vld [tilespmem:s24+$0x5050];
	v22 =	vadd.f32 v28, v22;
	v21 =	vadd.f32 v21, v26;
	v26 =	vpop (erf)  }
0x8f: {  	v23 =	vadd.f32 v25, v23;
	v28 =	vshll.u32 v24, $0x10;
	v24 =	vand.u32 $0xFFFF0000, v24;
	v25 =	vpop (erf)  }
0x90: {  	v29 =	vld [tilespmem:s24+$0x5070];
	v25 =	vadd.f32 v25, v26;
	_ =	sdelay $0x1  }
0x91: {  	v22 =	vadd.f32 v28, v22;
	v23 =	vadd.f32 v24, v23;
	v24 =	vpop (erf)  }
0x92: {  	v26 =	vshll.u32 v27, $0x10;
	v27 =	vand.u32 $0xFFFF0000, v27;
	v24 =	vadd.f32 v25, v24  }
0x93: {  	v22 =	vadd.f32 v26, v22;
	v23 =	vadd.f32 v27, v23;
	v25 =	vpop (erf)  }
0x94: {  	v26 =	vshll.u32 v29, $0x10;
	v27 =	vand.u32 $0xFFFF0000, v29;
	v24 =	vadd.f32 v24, v25  }
0x95: {  	v22 =	vadd.f32 v26, v22;
	v23 =	vadd.f32 v27, v23  }
0x96: {  	v21 =	vadd.f32 v21, v14;
	v20 =	vadd.f32 v20, v13;
	v25 =	vperm.xlane v24, v9  }
0x97: {  	v22 =	vadd.f32 v22, v15;
	v23 =	vadd.f32 v23, v16  }
0x98: {  	v24 =	vadd.f32 v24, v25  }
0x99: {  	v26 =	vmax.f32 v22, v23;
	v25 =	vmax.f32 v20, v21  }
0x9a: {  	v25 =	vmax.f32 v25, v26;
	v27 =	vperm.xlane v24, v10  }
0x9b: {  	v26 =	vperm.xlane v25, v9  }
0x9c: {  	v24 =	vadd.f32 v24, v27  }
0x9d: {  	v25 =	vmax.f32 v25, v26  }
0x9e: {  	v27 =	vperm.xlane v25, v10;
	v26 =	vperm.xlane v24, v11;
	_ =	sdelay $0x1  }
0x9f: {  	v25 =	vmax.f32 v25, v27;
	v24 =	vadd.f32 v24, v26  }
0xa0: {  	v26 =	vperm.xlane v25, v11  }
0xa1: {  	v27 =	vperm.xlane v24, v12  }
0xa2: {  	v25 =	vmax.f32 v25, v26  }
0xa3: {  	v26 =	vperm.xlane v25, v12;
	v24 =	vadd.f32 v24, v27;
	_ =	sdelay $0x1  }
0xa4: {  	v25 =	vmax.f32 v25, v26;
	v27 =	vand.u32 $0x7FFFFF, v24  }
0xa5: {  	v20 =	vsub.f32 v20, v25;
	v26 =	vor.u32 $0x3F800000, v27  }
0xa6: {  	v21 =	vsub.f32 v21, v25;
	v27 =	vadd.f32 $1.000000000e+00, v26  }
0xa7: {  	v20 =	vmul.f32 $1.442695020e+00, v20  }
0xa8: {  	v22 =	vsub.f32 v22, v25;
	v21 =	vmul.f32 $1.442695020e+00, v21;
	(erf) = vrcp.f32 v27  }
0xa9: {  	(erf) = vpow2.f32 v20  }
0xaa: {  	v20 =	vmul.f32 $1.442695020e+00, v22;
	(erf) = vpow2.f32 v21;
	v21 =	vsub.f32 v23, v25;
	_ =	sdelay $0x1  }
0xab: {  	(erf) = vpow2.f32 v20;
	v20 =	vmul.f32 $1.442695020e+00, v21;
	_ =	sdelay $0x1  }
0xac: {  	(erf) = vpow2.f32 v20;
	_ =	sdelay $0x2  }
0xad: {  	v20 =	vpop (erf)  }
0xae: {  	v21 =	vpop (erf)  }
0xaf: {  	v22 =	vpop (erf)  }
0xb0: {  	v21 =	vadd.f32 v22, v21  }
0xb1: {  	v22 =	vpop (erf)  }
0xb2: {  	v21 =	vadd.f32 v21, v22  }
0xb3: {  	v22 =	vpop (erf)  }
0xb4: {  	v21 =	vadd.f32 v21, v22;
	_ =	sdelay $0x1  }
0xb5: {  	v22 =	vperm.xlane v21, v9;
	_ =	sdelay $0x1  }
0xb6: {  	v21 =	vadd.f32 v21, v22;
	_ =	sdelay $0x1  }
0xb7: {  	v22 =	vperm.xlane v21, v10;
	_ =	sdelay $0x1  }
0xb8: {  	v21 =	vadd.f32 v21, v22;
	_ =	sdelay $0x1  }
0xb9: {  	v22 =	vperm.xlane v21, v11;
	_ =	sdelay $0x1  }
0xba: {  	v21 =	vadd.f32 v21, v22;
	_ =	sdelay $0x1  }
0xbb: {  	v22 =	vperm.xlane v21, v12;
	_ =	sdelay $0x1  }
0xbc: {  	v21 =	vadd.f32 v21, v22;
	_ =	sdelay $0x1  }
0xbd: {  	v22 =	vand.u32 $0x7FFFFF, v21  }
0xbe: {  	v22 =	vor.u32 $0x3F800000, v22  }
0xbf: {  	v23 =	vadd.f32 $1.000000000e+00, v22;
	_ =	sdelay $0x1  }
0xc0: {  	(erf) = vrcp.f32 v23;
	_ =	sdelay $0x4  }
0xc1: {  	v23 =	vadd.f32 $-1.000000000e+00, v26;
	_ =	sdelay $0x1  }
0xc2: {  	p0 =	seq.s32 s23, $0x1F  }
0xc3: {  	s24 =	sshll.u32 @!p0 s23, $0x9;
	v22 =	vadd.f32 $-1.000000000e+00, v22;
	v20 =	vmul.f32 v20, v23  }
0xc4: {  	s24 =	sand.u32 @!p0 $0x3FFFFE00, s24;
	v23 =	vpop (erf)  }
0xc5: {  	s26 =	simm.s32 @!p0 $0x80;
	s28 =	simm.s32 @!p0 $0x4000;
	s25 =	sadd.s32 @!p0 $0x200, s24;
	v22 =	vmul.f32 v23, v22;
	v23 =	vmul.f32 v20, v20  }
0xc6: {  	[tilespmem:s28], [sflag:$0x1] =	stream.indirect.gather @!p0 [hbm4b:s3+s26], $0x20, s25, s26, $0xb8;
	[tilespmem:$0x80C0] =	vst v63  }
0xc7: {  	s25 =	sadd.s32 @!p0 $0x280, s24;
	s28 =	simm.s32 @!p0 $0x5000;
	v26 =	vmul.f32 v22, v22;
	v27 =	vmul.f32 $2.857142980e-01, v23  }
0xc8: {  	[tilespmem:s28], [sflag:$0x2] =	stream.indirect.gather @!p0 [hbm4b:s3+s26], $0x20, s25, s26, $0xb8;
	[tilespmem:$0x80C0] =	vst v63  }
0xc9: {  	_ =	swait.ge [sflag:s19], $0x1000;
	v28 =	vmul.f32 $2.857142980e-01, v26;
	v27 =	vadd.f32 $4.000000060e-01, v27  }
0xca: {  	[sflag:s19] =	ssyncset.done $0x0  }
0xcb: {  	[sflag:s19] =	ssyncadd.s32 $0xFFFFF000;
	v28 =	vadd.f32 $4.000000060e-01, v28;
	v27 =	vmul.f32 v27, v23  }
0xcc: {  	v24 =	vshrl.u32 v24, $0x17;
	_ =	swait.ge [sflag:s20], $0x1000  }
0xcd: {  	v24 =	vand.u32 $0xFF, v24;
	[sflag:s20] =	ssyncset.done $0x0;
	v28 =	vmul.f32 v28, v26;
	v27 =	vadd.f32 $6.666666860e-01, v27  }
0xce: {  	s28 =	simm.s32 $0x0;
	v24 =	vadd.s32 $0xFFFFFF81, v24;
	[sflag:s20] =	ssyncadd.s32 $0xFFFFF000  }
0xcf: {  	v21 =	vshrl.u32 v21, $0x17;
	v58 =	vld [tilespmem:s28+$0x6000];
	v28 =	vadd.f32 $6.666666860e-01, v28;
	v23 =	vmul.f32 v27, v23  }
0xd0: {  	v24 =	vcvt.s32.f32 v24;
	v21 =	vand.u32 $0xFF, v21;
	v59 =	vld [tilespmem:s28+$0x7000]  }
0xd1: {  	v21 =	vadd.s32 $0xFFFFFF81, v21;
	v60 =	vld [tilespmem:s28+$0x7020];
	v26 =	vmul.f32 v28, v26;
	v23 =	vadd.f32 $2.000000000e+00, v23  }
0xd2: {  	v21 =	vcvt.s32.f32 v21  }
0xd3: {  	v31 =	vld [tilespmem:s28+$0x6050];
	v26 =	vadd.f32 $2.000000000e+00, v26;
	v20 =	vmul.f32 v23, v20;
	v23 =	vmul.f32 $6.931471820e-01, v24  }
0xd4: {  	v21 =	vmul.f32 $6.931471820e-01, v21;
	v61 =	vshll.u32 v58, $0x10;
	v33 =	vand.u32 $0xFFFF0000, v58;
	v24 =	vld [tilespmem:s28+$0x6060]  }
0xd5: {  	s25 =	sshll.u32 s23, $0x2;
	v62 =	vshll.u32 v59, $0x10;
	v22 =	vmul.f32 v26, v22;
	v26 =	vld [tilespmem:s28+$0x7060];
	v20 =	vadd.f32 v20, v23  }
0xd6: {  	s26 =	sand.u32 $0xC, s25;
	v63 =	vand.u32 $0xFFFF0000, v59;
	v38 =	vshll.u32 v60, $0x10;
	v39 =	vand.u32 $0xFFFF0000, v60;
	v23 =	vld [tilespmem:s28+$0x6070]  }
0xd7: {  	v21 =	vadd.f32 v22, v21;
	v19 =	vadd.f32 v20, v19;
	v20 =	vmov s26  }
0xd8: {  	v57 =	vld [tilespmem:s28+$0x6020];
	v28 =	vshll.u32 v31, $0x10;
	v31 =	vand.u32 $0xFFFF0000, v31;
	vm0 =	veq.s32 v20, v0  }
0xd9: {  	s29 =	sor.u32 $0x1, s26;
	v27 =	vld [tilespmem:s28+$0x7040];
	v29 =	vshll.u32 v24, $0x10;
	v30 =	vand.u32 $0xFFFF0000, v24;
	v20 =	vadd.f32 v21, v25  }
0xda: {  	v22 =	vld [tilespmem:s28+$0x6040];
	v21 =	vmov s29;
	v18 =	vsel vm0, v19, v18;
	v25 =	vimm.f32 $0.0e+00  }
0xdb: {  	vm15 =	veq.s32 v21, v0;
	v19 =	vshll.u32 v26, $0x10;
	v21 =	vshll.u32 v23, $0x10  }
0xdc: {  	v24 =	vand.u32 $0xFFFF0000, v23;
	v32 =	vadd.f32 v61, v25;
	v33 =	vadd.f32 v33, v25  }
0xdd: {  	v40 =	vld [tilespmem:s28+$0x6030];
	v23 =	vand.u32 $0xFFFF0000, v57;
	v36 =	vadd.f32 v62, v25;
	v37 =	vadd.f32 v63, v25  }
0xde: {  	v18 =	vsel vm15, v20, v18;
	v20 =	vand.u32 $0xFFFF0000, v26;
	v26 =	vshll.u32 v27, $0x10  }
0xdf: {  	v41 =	vld [tilespmem:s28+$0x6010];
	v27 =	vand.u32 $0xFFFF0000, v27;
	v34 =	vshll.u32 v22, $0x10;
	v35 =	vand.u32 $0xFFFF0000, v22  }
0xe0: {  	v22 =	vshll.u32 v57, $0x10;
	v43 =	vadd.f32 v23, v33;
	v33 =	vimm.f32 $0.0e+00  }
0xe1: {  	s29 =	simm.s32 $0x200;
	v23 =	vimm.f32 $0.0e+00;
	v42 =	vadd.f32 v22, v32;
	v32 =	vld [tilespmem:s28+$0x7010];
	v22 =	vimm.f32 $0.0e+00  }
.LBB2_7:
0xe2: {  	p1 =	sne.s32 s29, $0x3E00;
	v36 =	vadd.f32 v38, v36;
	v37 =	vadd.f32 v39, v37;
	v38 =	vshll.u32 v40, $0x10  }
0xe3: {  	v39 =	vand.u32 $0xFFFF0000, v40;
	v40 =	vld [tilespmem:s28+$0x7030];
	v34 =	vadd.f32 v34, v42;
	v35 =	vadd.f32 v35, v43  }
0xe4: {  	v42 =	vshll.u32 v41, $0x10;
	v26 =	vadd.f32 v26, v36;
	v27 =	vadd.f32 v27, v37  }
0xe5: {  	s30 =	sshra.s32 s29, $0x2;
	v36 =	vand.u32 $0xFFFF0000, v41;
	v37 =	vld [tilespmem:s28+$0x7050];
	v41 =	vadd.f32 v29, v34;
	v43 =	vadd.f32 v30, v35  }
0xe6: {  	v30 =	vld [tilespmem:s30+$0x6060];
	v29 =	vshll.u32 v32, $0x10;
	v44 =	vadd.f32 v19, v26;
	v45 =	vadd.f32 v20, v27  }
0xe7: {  	v19 =	vand.u32 $0xFFFF0000, v32;
	v20 =	vadd.f32 v42, v25;
	v25 =	vadd.f32 v36, v33;
	v26 =	vld [tilespmem:s28+$0x7070];
	s28 =	smov.u32 s30  }
0xe8: {  	v22 =	vadd.f32 v29, v22;
	v19 =	vadd.f32 v19, v23;
	v27 =	vld [tilespmem:s28+$0x7060];
	v23 =	vshll.u32 v40, $0x10  }
0xe9: {  	v29 =	vand.u32 $0xFFFF0000, v40;
	v20 =	vadd.f32 v38, v20;
	v25 =	vadd.f32 v39, v25;
	v32 =	vld [tilespmem:s28+$0x6070]  }
0xea: {  	v22 =	vadd.f32 v23, v22;
	v19 =	vadd.f32 v29, v19;
	v35 =	vld [tilespmem:s28+$0x6040];
	v23 =	vshll.u32 v37, $0x10  }
0xeb: {  	v29 =	vand.u32 $0xFFFF0000, v37;
	v20 =	vadd.f32 v28, v20;
	v28 =	vadd.f32 v31, v25;
	v36 =	vld [tilespmem:s28+$0x7040]  }
0xec: {  	v22 =	vadd.f32 v23, v22;
	v19 =	vadd.f32 v29, v19;
	v31 =	vld [tilespmem:s28+$0x6050];
	v23 =	vshll.u32 v26, $0x10  }
0xed: {  	v26 =	vand.u32 $0xFFFF0000, v26;
	v25 =	vadd.f32 v21, v20;
	v33 =	vadd.f32 v24, v28;
	v37 =	vld [tilespmem:s28+$0x6020]  }
0xee: {  	v22 =	vadd.f32 v23, v22;
	v23 =	vadd.f32 v26, v19;
	v38 =	vld [tilespmem:s28+$0x6000]  }
0xef: {  	v29 =	vshll.u32 v30, $0x10;
	v30 =	vand.u32 $0xFFFF0000, v30;
	v39 =	vld [tilespmem:s28+$0x7000]  }
0xf0: {  	v19 =	vshll.u32 v27, $0x10;
	v20 =	vand.u32 $0xFFFF0000, v27;
	v21 =	vshll.u32 v32, $0x10  }
0xf1: {  	v24 =	vand.u32 $0xFFFF0000, v32;
	v34 =	vshll.u32 v35, $0x10;
	v35 =	vand.u32 $0xFFFF0000, v35;
	v42 =	vld [tilespmem:s28+$0x7020]  }
0xf2: {  	v26 =	vshll.u32 v36, $0x10;
	v27 =	vand.u32 $0xFFFF0000, v36;
	v28 =	vshll.u32 v31, $0x10  }
.Ltmp4:
0xf3: {  	v31 =	vand.u32 $0xFFFF0000, v31;
	v46 =	vshll.u32 v37, $0x10;
	v47 =	vand.u32 $0xFFFF0000, v37;
	v40 =	vld [tilespmem:s28+$0x6030];
	(pc) =	sbr.rel @p1 .LBB2_7-.Ltmp4, $4  }
0xf4: {  	v32 =	vshll.u32 v38, $0x10;
	v36 =	vand.u32 $0xFFFF0000, v38;
	v37 =	vshll.u32 v39, $0x10  }
0xf5: {  	v38 =	vand.u32 $0xFFFF0000, v39;
	v48 =	vadd.f32 v32, v41;
	v43 =	vadd.f32 v36, v43;
	v41 =	vld [tilespmem:s28+$0x6010]  }
0xf6: {  	v36 =	vadd.f32 v37, v44;
	v37 =	vadd.f32 v38, v45;
	v38 =	vshll.u32 v42, $0x10  }
0xf7: {  	s29 =	sadd.s32 $0x200, s29;
	v39 =	vand.u32 $0xFFFF0000, v42;
	v42 =	vadd.f32 v46, v48;
	v43 =	vadd.f32 v47, v43;
	v32 =	vld [tilespmem:s28+$0x7010]  }
0xf8: {  	_ =	sdelay $0x1  }
0xf9: {  	v44 =	vshll.u32 v41, $0x10;
	v48 =	vand.u32 $0xFFFF0000, v41  }
0xfa: {  	v25 =	vadd.f32 v44, v25;
	v33 =	vadd.f32 v48, v33  }
0xfb: {  	v49 =	vshll.u32 v40, $0x10;
	v50 =	vand.u32 $0xFFFF0000, v40  }
0xfc: {  	v25 =	vadd.f32 v49, v25;
	v33 =	vadd.f32 v50, v33  }
0xfd: {  	v34 =	vadd.f32 v34, v42;
	v35 =	vadd.f32 v35, v43  }
0xfe: {  	v25 =	vadd.f32 v28, v25;
	v51 =	vadd.f32 v31, v33  }
0xff: {  	v29 =	vadd.f32 v29, v34;
	v30 =	vadd.f32 v30, v35  }
0x100: {  	v21 =	vadd.f32 v21, v25;
	v24 =	vadd.f32 v24, v51  }
0x101: {  	v52 =	vadd.f32 v29, v13;
	v53 =	vadd.f32 v30, v14  }
0x102: {  	v54 =	vadd.f32 v21, v15;
	v24 =	vadd.f32 v24, v16;
	_ =	sdelay $0x1  }
0x103: {  	v55 =	vmax.f32 v52, v53;
	v56 =	vmax.f32 v54, v24  }
0x104: {  	v21 =	vmax.f32 v55, v56  }
0x105: {  	v30 =	vperm.xlane v21, v9;
	_ =	sdelay $0x1  }
0x106: {  	v21 =	vmax.f32 v21, v30  }
0x107: {  	v30 =	vperm.xlane v21, v10;
	_ =	sdelay $0x1  }
0x108: {  	v21 =	vmax.f32 v21, v30  }
0x109: {  	v30 =	vperm.xlane v21, v11;
	_ =	sdelay $0x1  }
0x10a: {  	v21 =	vmax.f32 v21, v30  }
0x10b: {  	v30 =	vperm.xlane v21, v12;
	_ =	sdelay $0x1  }
0x10c: {  	v21 =	vmax.f32 v21, v30  }
0x10d: {  	v25 =	vsub.f32 v52, v21  }
0x10e: {  	v28 =	vsub.f32 v53, v21  }
0x10f: {  	v25 =	vmul.f32 $1.442695020e+00, v25  }
0x110: {  	v29 =	vsub.f32 v54, v21;
	v28 =	vmul.f32 $1.442695020e+00, v28  }
0x111: {  	(erf) = vpow2.f32 v25  }
0x112: {  	v24 =	vsub.f32 v24, v21;
	v57 =	vmul.f32 $1.442695020e+00, v29;
	(erf) = vpow2.f32 v28;
	_ =	sdelay $0x1  }
0x113: {  	v24 =	vmul.f32 $1.442695020e+00, v24;
	(erf) = vpow2.f32 v57  }
0x114: {  	v60 =	vld [tilespmem:s28+$0x7030]  }
0x115: {  	(erf) = vpow2.f32 v24;
	_ =	sdelay $0x1  }
0x116: {  	v58 =	vadd.f32 v38, v36;
	v62 =	vld [tilespmem:s28+$0x7050];
	v63 =	vshll.u32 v32, $0x10  }
0x117: {  	v59 =	vadd.f32 v39, v37;
	v22 =	vadd.f32 v63, v22  }
0x118: {  	v35 =	vld [tilespmem:s28+$0x7070];
	v37 =	vshll.u32 v60, $0x10;
	v33 =	vand.u32 $0xFFFF0000, v32;
	v25 =	vadd.f32 v26, v58;
	v34 =	vpop (erf)  }
0x119: {  	v22 =	vadd.f32 v37, v22;
	v23 =	vadd.f32 v33, v23;
	v36 =	vpop (erf)  }
0x11a: {  	v19 =	vadd.f32 v19, v25;
	v24 =	vand.u32 $0xFFFF0000, v60;
	v25 =	vadd.f32 v36, v34  }
0x11b: {  	v61 =	vadd.f32 v27, v59;
	v39 =	vshll.u32 v62, $0x10;
	v23 =	vadd.f32 v24, v23;
	v38 =	vpop (erf)  }
0x11c: {  	v27 =	vand.u32 $0xFFFF0000, v62;
	v22 =	vadd.f32 v39, v22;
	v24 =	vadd.f32 v25, v38  }
0x11d: {  	v20 =	vadd.f32 v20, v61;
	v41 =	vshll.u32 v35, $0x10;
	v23 =	vadd.f32 v27, v23;
	v40 =	vpop (erf)  }
0x11e: {  	v42 =	vand.u32 $0xFFFF0000, v35;
	v22 =	vadd.f32 v41, v22;
	v24 =	vadd.f32 v24, v40  }
0x11f: {  	v23 =	vadd.f32 v42, v23  }
0x120: {  	v20 =	vadd.f32 v20, v14;
	v22 =	vadd.f32 v22, v15;
	v25 =	vperm.xlane v24, v9  }
0x121: {  	v19 =	vadd.f32 v19, v13;
	v23 =	vadd.f32 v23, v16  }
0x122: {  	v24 =	vadd.f32 v24, v25  }
0x123: {  	v43 =	vmax.f32 v19, v20;
	v44 =	vmax.f32 v22, v23  }
0x124: {  	v25 =	vmax.f32 v43, v44;
	v45 =	vperm.xlane v24, v10  }
0x125: {  	v26 =	vperm.xlane v25, v9  }
0x126: {  	v24 =	vadd.f32 v24, v45  }
0x127: {  	v25 =	vmax.f32 v25, v26  }
0x128: {  	v47 =	vperm.xlane v25, v10;
	v46 =	vperm.xlane v24, v11;
	_ =	sdelay $0x1  }
0x129: {  	v25 =	vmax.f32 v25, v47;
	v24 =	vadd.f32 v24, v46  }
0x12a: {  	v48 =	vperm.xlane v25, v11  }
0x12b: {  	v49 =	vperm.xlane v24, v12  }
0x12c: {  	v25 =	vmax.f32 v25, v48  }
0x12d: {  	v26 =	vperm.xlane v25, v12;
	v24 =	vadd.f32 v24, v49;
	_ =	sdelay $0x1  }
0x12e: {  	v25 =	vmax.f32 v25, v26;
	v27 =	vand.u32 $0x7FFFFF, v24  }
0x12f: {  	v19 =	vsub.f32 v19, v25;
	v50 =	vor.u32 $0x3F800000, v27  }
0x130: {  	v20 =	vsub.f32 v20, v25;
	v27 =	vadd.f32 $1.000000000e+00, v50  }
0x131: {  	v19 =	vmul.f32 $1.442695020e+00, v19  }
0x132: {  	v22 =	vsub.f32 v22, v25;
	v20 =	vmul.f32 $1.442695020e+00, v20;
	(erf) = vrcp.f32 v27  }
0x133: {  	(erf) = vpow2.f32 v19  }
0x134: {  	v19 =	vmul.f32 $1.442695020e+00, v22;
	(erf) = vpow2.f32 v20;
	v20 =	vsub.f32 v23, v25;
	_ =	sdelay $0x1  }
0x135: {  	(erf) = vpow2.f32 v19;
	v19 =	vmul.f32 $1.442695020e+00, v20;
	_ =	sdelay $0x1  }
0x136: {  	(erf) = vpow2.f32 v19;
	_ =	sdelay $0x2  }
0x137: {  	v19 =	vpop (erf)  }
0x138: {  	v20 =	vpop (erf)  }
0x139: {  	v51 =	vpop (erf)  }
0x13a: {  	v20 =	vadd.f32 v51, v20  }
0x13b: {  	v52 =	vpop (erf)  }
0x13c: {  	v20 =	vadd.f32 v20, v52  }
0x13d: {  	v53 =	vpop (erf)  }
0x13e: {  	v20 =	vadd.f32 v20, v53;
	_ =	sdelay $0x1  }
0x13f: {  	v22 =	vperm.xlane v20, v9;
	_ =	sdelay $0x1  }
0x140: {  	v20 =	vadd.f32 v20, v22;
	_ =	sdelay $0x1  }
0x141: {  	v22 =	vperm.xlane v20, v10;
	_ =	sdelay $0x1  }
0x142: {  	v20 =	vadd.f32 v20, v22;
	_ =	sdelay $0x1  }
0x143: {  	v22 =	vperm.xlane v20, v11;
	_ =	sdelay $0x1  }
0x144: {  	v20 =	vadd.f32 v20, v22;
	_ =	sdelay $0x1  }
0x145: {  	v22 =	vperm.xlane v20, v12;
	_ =	sdelay $0x1  }
0x146: {  	v20 =	vadd.f32 v20, v22;
	_ =	sdelay $0x1  }
0x147: {  	v22 =	vand.u32 $0x7FFFFF, v20  }
0x148: {  	v22 =	vor.u32 $0x3F800000, v22  }
0x149: {  	v54 =	vadd.f32 $1.000000000e+00, v22;
	_ =	sdelay $0x1  }
0x14a: {  	(erf) = vrcp.f32 v54;
	_ =	sdelay $0x6  }
0x14b: {  	v55 =	vadd.f32 $-1.000000000e+00, v50  }
0x14c: {  	v22 =	vadd.f32 $-1.000000000e+00, v22  }
0x14d: {  	v19 =	vmul.f32 v19, v55;
	v56 =	vpop (erf)  }
0x14e: {  	v22 =	vmul.f32 v56, v22  }
0x14f: {  	v57 =	vmul.f32 v19, v19  }
0x150: {  	v58 =	vmul.f32 v22, v22  }
0x151: {  	v59 =	vmul.f32 $2.857142980e-01, v57  }
0x152: {  	v60 =	vmul.f32 $2.857142980e-01, v58  }
0x153: {  	v27 =	vadd.f32 $4.000000060e-01, v59  }
0x154: {  	v28 =	vadd.f32 $4.000000060e-01, v60  }
0x155: {  	v27 =	vmul.f32 v27, v57  }
0x156: {  	v28 =	vmul.f32 v28, v58  }
0x157: {  	v27 =	vadd.f32 $6.666666860e-01, v27  }
0x158: {  	v24 =	vshrl.u32 v24, $0x17;
	v28 =	vadd.f32 $6.666666860e-01, v28  }
0x159: {  	v24 =	vand.u32 $0xFF, v24;
	v23 =	vmul.f32 v27, v57;
	v20 =	vshrl.u32 v20, $0x17  }
0x15a: {  	v24 =	vadd.s32 $0xFFFFFF81, v24;
	v20 =	vand.u32 $0xFF, v20;
	v26 =	vmul.f32 v28, v58  }
0x15b: {  	v24 =	vcvt.s32.f32 v24;
	v23 =	vadd.f32 $2.000000000e+00, v23;
	v20 =	vadd.s32 $0xFFFFFF81, v20  }
0x15c: {  	v20 =	vcvt.s32.f32 v20;
	v26 =	vadd.f32 $2.000000000e+00, v26  }
0x15d: {  	v61 =	vmul.f32 $6.931471820e-01, v24;
	v19 =	vmul.f32 v23, v19  }
0x15e: {  	v20 =	vmul.f32 $6.931471820e-01, v20;
	v22 =	vmul.f32 v26, v22  }
0x15f: {  	v19 =	vadd.f32 v19, v61  }
0x160: {  	s30 =	sor.u32 $0x2, s26;
	v20 =	vadd.f32 v22, v20  }
.Ltmp5:
0x161: {  	s31 =	sor.u32 $0x3, s26;
	v62 =	vmov s30;
	v19 =	vadd.f32 v19, v21;
	(pc) =	sbr.rel @p0 .LBB2_10-.Ltmp5, $4  }
0x162: {  	s24 =	sadd.s32 @!p0 $0x300, s24;
	v63 =	vmov s31;
	vm0 =	veq.s32 v62, v0;
	v20 =	vadd.f32 v20, v25  }
0x163: {  	s29 =	simm.s32 @!p0 $0x80;
	p1 =	sne.s32 s26, $0xC;
	s28 =	simm.s32 @!p0 $0x6000;
	vm15 =	veq.s32 v63, v0;
	v18 =	vsel vm0, v19, v18  }
0x164: {  	[tilespmem:s28], [sflag:$0x3] =	stream.indirect.gather @!p0 [hbm4b:s3+s29], $0x20, s24, s29, $0xb8;
	v18 =	vsel vm15, v20, v18;
	[tilespmem:$0x80C0] =	vst v63  }
0x165: {  	[tilespmem:s25+$0x8034] =	vst @!p1 v18  }
.Ltmp6:
0x166: {  	(pc) =	sbr.rel .LBB2_4-.Ltmp6, $4  }
0x167: {  	s24 =	sshll.u32 s23, $0x9  }
0x168: {  	s24 =	sand.u32 $0x3FFFFE00, s24  }
0x169: {  	s23 =	sadd.s32 $0x1, s23;
	s24 =	sadd.s32 $0x380, s24  }
0x16a: {  	[tilespmem:s16], [sflag:$0x4] =	stream.indirect.gather [hbm4b:s3+s10], $0x20, s24, s10, $0xb8;
	[tilespmem:$0x80C0] =	vst v63  }
.LBB2_11:
0x16b: {  	_ =	sfence.sel $0x180000  }
0x16c: {  	[bflag:$0x0] =	sbarrier.arrive $0xFFFF  }
0x16d: {  	p0 =	sne.s32 s4, $0x0;
	_ =	strace $0x90000047  }
0x16e: {  	s0 =	sadd.s32 @!p0 $0x100000, s0;
	[bflag:$0x2] =	sbarrier.arrive $0xFFFF  }
0x16f: {  	[sflag:s0] =	ssyncadd.tile.s32 @!p0 $0x1;
	_ =	shalt  }
.Lfunc_end2:
_tile_overlayer_lowered:
.L_overlay_start_2:
0x170: {  	(tag) =	ssettag $0x2  }
0x171: {  	s0 =	rddreg [dreg:$0x0];
	s2 =	stileid.u32  }
0x172: {  	s1 =	rddreg [dreg:$0x1];
	p0 =	sne.s32 s2, $0x0  }
0x173: {  	s3 =	rddreg [dreg:$0x2];
	[bflag:$0x3] =	sbarrier.arrive $0xFFFF;
	s2 =	simm.s32 @!p0 $0x1C05  }
0x174: {  	[timem:s3], [sflag:s2] =	dma.local @!p0 [hbm:s0], s1  }
0x175: {  	s0 =	simm.s32 @!p0 $0x5  }
0x176: {  	_ =	swait.ge @!p0 [sflag:s0], s1  }
0x177: {  	s1 =	ssub.s32 @!p0 $0x0, s1;
	[sflag:s0] =	ssyncset.done @!p0 $0x0  }
0x178: {  	[sflag:s0] =	ssyncadd.s32 @!p0 s1  }
0x179: {  	[bflag:$0x3] =	sbarrier.arrive $0xFFFF  }
0x17a: {  	_ =	shalt  }

</sc_bundles>
